<compile_context>
chip_gen: v7x
topology: tpu7x:2x2x1
jax: 0.10.2.dev20260603
libtpu: 0.0.44.dev20260713+nightly
codegen_flags: <defaults>
</compile_context>

<pallas_src>
import functools

import jax
import jax.numpy as jnp
from jax import lax
from jax.experimental import pallas as pl
from jax.experimental.pallas import tpu as pltpu
from jax.experimental.pallas import tpu_sc as plsc

_N_CLS = 1000
_D = 512
_P = 5
_C = 5
_T = 67
_M = _P + _C + _T

_info = plsc.get_sparse_core_info()
_NC = _info.num_cores
_NS = _info.num_subcores
_NW = _NC * _NS

_ROWS = 32
_LAST = _N_CLS - _ROWS

_K = 3
_NCHUNK = _T // _K

_LANES = 16
_JROW = _D // _LANES

_mesh = plsc.VectorSubcoreMesh(core_axis_name="c", subcore_axis_name="s")


@functools.partial(
    pl.kernel,
    mesh=_mesh,
    out_type=jax.ShapeDtypeStruct((_M, _N_CLS, _D), jnp.float32),
    scratch_types=[
        pltpu.VMEM_SHARED((_NS, 2, _K, _ROWS, _D), jnp.float32),
        pltpu.VMEM((_P, _D), jnp.float32),
        pltpu.VMEM((_P, 8, _D), jnp.float32),
        pltpu.SemaphoreType.DMA,
        pltpu.SemaphoreType.DMA,
    ],
)
def _prompt_concat(
    prefix_hbm, ctx_hbm, token_hbm, out_hbm, sbuf, pbuf, prep, in_sem, out_sem
):
    core = lax.axis_index("c")
    sub = lax.axis_index("s")
    wid = sub * _NC + core
    start = pl.multiple_of(jnp.minimum(_ROWS * wid, _LAST), 8)
    rows = pl.ds(start, _ROWS)
    buf = sbuf.at[sub]

    def wait_in(k):
        pltpu.make_async_copy(
            token_hbm.at[pl.ds(0, k), pl.ds(0, _ROWS)],
            buf.at[0, pl.ds(0, k)],
            in_sem,
        ).wait()

    def wait_out(k):
        pltpu.make_async_copy(
            buf.at[0, pl.ds(0, k)],
            out_hbm.at[pl.ds(0, k), pl.ds(0, _ROWS)],
            out_sem,
        ).wait()

    pltpu.async_copy(prefix_hbm, pbuf, in_sem)

    pltpu.async_copy(ctx_hbm.at[pl.ds(0, 3), rows], buf.at[0], in_sem)
    pltpu.async_copy(ctx_hbm.at[pl.ds(3, 2), rows], buf.at[1, pl.ds(0, 2)], in_sem)
    pltpu.make_async_copy(prefix_hbm, pbuf, in_sem).wait()
    wait_in(3)
    pltpu.async_copy(buf.at[0], out_hbm.at[pl.ds(_P, 3), rows], out_sem)
    wait_in(2)
    pltpu.async_copy(
        buf.at[1, pl.ds(0, 2)], out_hbm.at[pl.ds(_P + 3, 2), rows], out_sem
    )
    wait_out(3)
    wait_out(2)

    pltpu.async_copy(token_hbm.at[pl.ds(0, _K), rows], buf.at[0], in_sem)

    def body(i, carry):
        slot = lax.rem(i, 2)
        wait_in(_K)
        pltpu.async_copy(
            buf.at[slot],
            out_hbm.at[pl.ds(_P + _C + _K * i, _K), rows],
            out_sem,
        )

        @pl.when(i + 1 < _NCHUNK)
        def _():
            @pl.when(i >= 1)
            def _():
                wait_out(_K)

            pltpu.async_copy(
                token_hbm.at[pl.ds(_K * (i + 1), _K), rows],
                buf.at[1 - slot],
                in_sem,
            )

        return carry

    lax.fori_loop(0, _NCHUNK, body, 0)

    wait_out(_K)

    pltpu.async_copy(
        token_hbm.at[pl.ds(_K * _NCHUNK, 1), rows], buf.at[0, pl.ds(0, 1)], in_sem
    )
    wait_in(1)
    pltpu.async_copy(
        buf.at[0, pl.ds(0, 1)], out_hbm.at[pl.ds(_M - 1, 1), rows], out_sem
    )

    for r in range(_P):

        def fill(j, carry):
            sl = pl.ds(j * _LANES, _LANES)
            v = pbuf[r, sl]
            for r2 in range(8):
                prep[r, r2, sl] = v
            return carry

        lax.fori_loop(0, _JROW, fill, 0)
        for k in range(4):
            pltpu.async_copy(
                prep.at[r],
                out_hbm.at[r, pl.ds(start + 8 * k, 8)],
                out_sem,
            )

    wait_out(_K)
    wait_out(1)
    for r in range(_P):
        for k in range(4):
            pltpu.make_async_copy(
                prep.at[r], out_hbm.at[r, pl.ds(start, 8)], out_sem
            ).wait()


def kernel(prefix, ctx, token):
    out_t = _prompt_concat(
        prefix,
        ctx.transpose(1, 0, 2),
        token.transpose(1, 0, 2),
    )
    return out_t.transpose(1, 0, 2)

# --- scband reference (transcript-rebuilt; emitter-appended) ---
"""Pipeline reference for scband-prompt-learner-90409061581066 (READ-ONLY COPY).

The authoritative reference and input builder live on the scoring server;
editing this copy changes nothing except your own understanding.
"""

import jax, jax.numpy as jnp
import numpy as np

N_CLS = 1000
CTX_DIM = 512
PREFIX_LEN = 5
PROMPT_LEN = 5
MAX_LEN = 77
TOKEN_LEN = MAX_LEN - PREFIX_LEN - PROMPT_LEN  # 67


def setup_inputs(seed: int = 0) -> dict:
    key = jax.random.key(seed)
    k1, k2, k3 = jax.random.split(key, 3)
    # learned shared prefix parameter [prefix_len, ctx_dim]
    prefix = jax.random.normal(k1, (PREFIX_LEN, CTX_DIM), dtype=jnp.float32)
    # per-class learned context bank [n_cls, prompt_len, ctx_dim]
    ctx = jax.random.normal(k2, (N_CLS, PROMPT_LEN, CTX_DIM), dtype=jnp.float32)
    # frozen per-class token embeddings (already truncated to max_cls_token_len in __init__)
    token = jax.random.normal(k3, (N_CLS, TOKEN_LEN, CTX_DIM), dtype=jnp.float32)
    return {"prefix": prefix, "ctx": ctx, "token": token}


def reference(prefix, ctx, token):
    # Faithful vectorized translation of PromptLearner.forward:
    # for each class: concat([prefix, ctx[cls], token[cls]], dim=1), truncating token if over max_len.
    n_cls = ctx.shape[0]
    total_len = prefix.shape[0] + ctx.shape[1] + token.shape[1]
    tok = token
    if total_len > MAX_LEN:
        excess = total_len - MAX_LEN
        tok = token[:, :-excess]
    prefix_b = jnp.broadcast_to(prefix[None, :, :], (n_cls, prefix.shape[0], prefix.shape[1]))
    prompts = jnp.concatenate([prefix_b, ctx, tok], axis=1)  # [n_cls, max_len, ctx_dim]
    return prompts

if __name__ == "__main__":
    import jax
    _d = setup_inputs()
    print(jax.jit(kernel)(*tuple(_d.values())))

</pallas_src>

<mosaic_0001>
#map = affine_map<(d0, d1) -> (0, 0)>
#map1 = affine_map<(d0, d1) -> (0, 0, 0)>
module attributes {stable_mosaic.version = 14 : i64} {
  func.func @_prompt_concat(%arg0: i32, %arg1: i32, %arg2: memref<5x512xf32, #tpu.memory_space<hbm>>, %arg3: memref<5x1000x512xf32, #tpu.memory_space<hbm>>, %arg4: memref<67x1000x512xf32, #tpu.memory_space<hbm>>, %arg5: memref<77x1000x512xf32, #tpu.memory_space<hbm>>, %arg6: memref<16x2x3x32x512xf32, #tpu.memory_space<vmem_shared>>, %arg7: memref<5x512xf32, #tpu.memory_space<vmem>>, %arg8: memref<5x8x512xf32, #tpu.memory_space<vmem>>, %arg9: memref<!tpu.dma_semaphore, #tpu.memory_space<semaphore_mem>>, %arg10: memref<!tpu.dma_semaphore, #tpu.memory_space<semaphore_mem>>) attributes {dimension_semantics = [#tpu.dimension_semantics<core_parallel>, #tpu.dimension_semantics<subcore_parallel>], iteration_bounds = array<i64: 2, 16>, scalar_prefetch = 0 : i64, scratch_operands = 5 : i64, tpu.core_type = #tpu.core_type<sc_vector_subcore>, window_params = [{transform_indices = #map}, {transform_indices = #map1}, {transform_indices = #map1}, {transform_indices = #map1}]} {
    %mul3A = arith.constant 2 : i32
    %mul3A_0 = arith.muli %arg1, %mul3A : i32
    %add3A = arith.addi %mul3A_0, %arg0 : i32
    %mul3A_1 = arith.constant 32 : i32
    %mul3A_2 = arith.muli %mul3A_1, %add3A : i32
    %min3A = arith.constant 968 : i32
    %min3A_3 = arith.minsi %mul3A_2, %min3A : i32
    %multiple_of3A = tpu.assume_multiple %min3A_3, 8 : i32
    tpu.enqueue_dma source(%arg2 : memref<5x512xf32, #tpu.memory_space<hbm>>) target(%arg7 : memref<5x512xf32, #tpu.memory_space<vmem>>) target_semaphore(%arg9 : memref<!tpu.dma_semaphore, #tpu.memory_space<semaphore_mem>>)
    %dma_start3A = arith.constant 0 : i32
    %dma_start3A_4 = arith.constant 0 : i32
    %dma_start3A_5 = arith.constant 0 : i32
    %dma_start3A_6 = arith.constant 0 : i32
    %dma_start3A_7 = arith.constant 0 : i32
    %dma_start3A_8 = tpu.memref_slice %arg6[%arg1, %dma_start3A_4, %dma_start3A_5, %dma_start3A_6, %dma_start3A_7] : memref<16x2x3x32x512xf32, #tpu.memory_space<vmem_shared>> -> memref<1x2x3x32x512xf32, #tpu.memory_space<vmem_shared>>
    %dma_start3A_9 = tpu.memref_squeeze %dma_start3A_8 : memref<1x2x3x32x512xf32, #tpu.memory_space<vmem_shared>> -> memref<2x3x32x512xf32, #tpu.memory_space<vmem_shared>>
    %dma_start3A_10 = arith.constant 0 : i32
    %dma_start3A_11 = arith.constant 0 : i32
    %dma_start3A_12 = arith.constant 0 : i32
    %dma_start3A_13 = tpu.memref_slice %dma_start3A_9[%dma_start3A, %dma_start3A_10, %dma_start3A_11, %dma_start3A_12] : memref<2x3x32x512xf32, #tpu.memory_space<vmem_shared>> -> memref<1x3x32x512xf32, #tpu.memory_space<vmem_shared>>
    %dma_start3A_14 = tpu.memref_squeeze %dma_start3A_13 : memref<1x3x32x512xf32, #tpu.memory_space<vmem_shared>> -> memref<3x32x512xf32, #tpu.memory_space<vmem_shared>>
    %dma_start3A_15 = arith.constant 0 : i32
    %dma_start3A_16 = arith.constant 0 : i32
    %dma_start3A_17 = tpu.memref_slice %arg3[%dma_start3A_15, %multiple_of3A, %dma_start3A_16] : memref<5x1000x512xf32, #tpu.memory_space<hbm>> -> memref<3x32x512xf32, #tpu.memory_space<hbm>>
    tpu.enqueue_dma source(%dma_start3A_17 : memref<3x32x512xf32, #tpu.memory_space<hbm>>) target(%dma_start3A_14 : memref<3x32x512xf32, #tpu.memory_space<vmem_shared>>) target_semaphore(%arg9 : memref<!tpu.dma_semaphore, #tpu.memory_space<semaphore_mem>>)
    %dma_start3A_18 = arith.constant 1 : i32
    %dma_start3A_19 = arith.constant 0 : i32
    %dma_start3A_20 = arith.constant 0 : i32
    %dma_start3A_21 = arith.constant 0 : i32
    %dma_start3A_22 = arith.constant 0 : i32
    %dma_start3A_23 = tpu.memref_slice %arg6[%arg1, %dma_start3A_19, %dma_start3A_20, %dma_start3A_21, %dma_start3A_22] : memref<16x2x3x32x512xf32, #tpu.memory_space<vmem_shared>> -> memref<1x2x3x32x512xf32, #tpu.memory_space<vmem_shared>>
    %dma_start3A_24 = tpu.memref_squeeze %dma_start3A_23 : memref<1x2x3x32x512xf32, #tpu.memory_space<vmem_shared>> -> memref<2x3x32x512xf32, #tpu.memory_space<vmem_shared>>
    %dma_start3A_25 = arith.constant 0 : i32
    %dma_start3A_26 = arith.constant 0 : i32
    %dma_start3A_27 = arith.constant 0 : i32
    %dma_start3A_28 = tpu.memref_slice %dma_start3A_24[%dma_start3A_18, %dma_start3A_25, %dma_start3A_26, %dma_start3A_27] : memref<2x3x32x512xf32, #tpu.memory_space<vmem_shared>> -> memref<1x2x32x512xf32, #tpu.memory_space<vmem_shared>>
    %dma_start3A_29 = tpu.memref_squeeze %dma_start3A_28 : memref<1x2x32x512xf32, #tpu.memory_space<vmem_shared>> -> memref<2x32x512xf32, #tpu.memory_space<vmem_shared>>
    %dma_start3A_30 = arith.constant 3 : i32
    %dma_start3A_31 = arith.constant 0 : i32
    %dma_start3A_32 = tpu.memref_slice %arg3[%dma_start3A_30, %multiple_of3A, %dma_start3A_31] : memref<5x1000x512xf32, #tpu.memory_space<hbm>> -> memref<2x32x512xf32, #tpu.memory_space<hbm>>
    tpu.enqueue_dma source(%dma_start3A_32 : memref<2x32x512xf32, #tpu.memory_space<hbm>>) target(%dma_start3A_29 : memref<2x32x512xf32, #tpu.memory_space<vmem_shared>>) target_semaphore(%arg9 : memref<!tpu.dma_semaphore, #tpu.memory_space<semaphore_mem>>)
    tpu.wait_dma2 semaphore(%arg9 : memref<!tpu.dma_semaphore, #tpu.memory_space<semaphore_mem>>) src(%arg2 : memref<5x512xf32, #tpu.memory_space<hbm>>) dst(%arg7 : memref<5x512xf32, #tpu.memory_space<vmem>>)
    %dma_wait3A = arith.constant 0 : i32
    %dma_wait3A_33 = arith.constant 0 : i32
    %dma_wait3A_34 = arith.constant 0 : i32
    %dma_wait3A_35 = arith.constant 0 : i32
    %dma_wait3A_36 = arith.constant 0 : i32
    %dma_wait3A_37 = tpu.memref_slice %arg6[%arg1, %dma_wait3A_33, %dma_wait3A_34, %dma_wait3A_35, %dma_wait3A_36] : memref<16x2x3x32x512xf32, #tpu.memory_space<vmem_shared>> -> memref<1x2x3x32x512xf32, #tpu.memory_space<vmem_shared>>
    %dma_wait3A_38 = tpu.memref_squeeze %dma_wait3A_37 : memref<1x2x3x32x512xf32, #tpu.memory_space<vmem_shared>> -> memref<2x3x32x512xf32, #tpu.memory_space<vmem_shared>>
    %dma_wait3A_39 = arith.constant 0 : i32
    %dma_wait3A_40 = arith.constant 0 : i32
    %dma_wait3A_41 = arith.constant 0 : i32
    %dma_wait3A_42 = tpu.memref_slice %dma_wait3A_38[%dma_wait3A, %dma_wait3A_39, %dma_wait3A_40, %dma_wait3A_41] : memref<2x3x32x512xf32, #tpu.memory_space<vmem_shared>> -> memref<1x3x32x512xf32, #tpu.memory_space<vmem_shared>>
    %dma_wait3A_43 = tpu.memref_squeeze %dma_wait3A_42 : memref<1x3x32x512xf32, #tpu.memory_space<vmem_shared>> -> memref<3x32x512xf32, #tpu.memory_space<vmem_shared>>
    %dma_wait3A_44 = arith.constant 0 : i32
    %dma_wait3A_45 = arith.constant 0 : i32
    %dma_wait3A_46 = arith.constant 0 : i32
    %dma_wait3A_47 = tpu.memref_slice %arg4[%dma_wait3A_44, %dma_wait3A_45, %dma_wait3A_46] : memref<67x1000x512xf32, #tpu.memory_space<hbm>> -> memref<3x32x512xf32, #tpu.memory_space<hbm>>
    tpu.wait_dma2 semaphore(%arg9 : memref<!tpu.dma_semaphore, #tpu.memory_space<semaphore_mem>>) src(%dma_wait3A_47 : memref<3x32x512xf32, #tpu.memory_space<hbm>>) dst(%dma_wait3A_43 : memref<3x32x512xf32, #tpu.memory_space<vmem_shared>>)
    %dma_start3A_48 = arith.constant 0 : i32
    %dma_start3A_49 = arith.constant 5 : i32
    %dma_start3A_50 = arith.constant 0 : i32
    %dma_start3A_51 = tpu.memref_slice %arg5[%dma_start3A_49, %multiple_of3A, %dma_start3A_50] : memref<77x1000x512xf32, #tpu.memory_space<hbm>> -> memref<3x32x512xf32, #tpu.memory_space<hbm>>
    %dma_start3A_52 = arith.constant 0 : i32
    %dma_start3A_53 = arith.constant 0 : i32
    %dma_start3A_54 = arith.constant 0 : i32
    %dma_start3A_55 = arith.constant 0 : i32
    %dma_start3A_56 = tpu.memref_slice %arg6[%arg1, %dma_start3A_52, %dma_start3A_53, %dma_start3A_54, %dma_start3A_55] : memref<16x2x3x32x512xf32, #tpu.memory_space<vmem_shared>> -> memref<1x2x3x32x512xf32, #tpu.memory_space<vmem_shared>>
    %dma_start3A_57 = tpu.memref_squeeze %dma_start3A_56 : memref<1x2x3x32x512xf32, #tpu.memory_space<vmem_shared>> -> memref<2x3x32x512xf32, #tpu.memory_space<vmem_shared>>
    %dma_start3A_58 = arith.constant 0 : i32
    %dma_start3A_59 = arith.constant 0 : i32
    %dma_start3A_60 = arith.constant 0 : i32
    %dma_start3A_61 = tpu.memref_slice %dma_start3A_57[%dma_start3A_48, %dma_start3A_58, %dma_start3A_59, %dma_start3A_60] : memref<2x3x32x512xf32, #tpu.memory_space<vmem_shared>> -> memref<1x3x32x512xf32, #tpu.memory_space<vmem_shared>>
    %dma_start3A_62 = tpu.memref_squeeze %dma_start3A_61 : memref<1x3x32x512xf32, #tpu.memory_space<vmem_shared>> -> memref<3x32x512xf32, #tpu.memory_space<vmem_shared>>
    tpu.enqueue_dma source(%dma_start3A_62 : memref<3x32x512xf32, #tpu.memory_space<vmem_shared>>) target(%dma_start3A_51 : memref<3x32x512xf32, #tpu.memory_space<hbm>>) target_semaphore(%arg10 : memref<!tpu.dma_semaphore, #tpu.memory_space<semaphore_mem>>)
    %dma_wait3A_63 = arith.constant 0 : i32
    %dma_wait3A_64 = arith.constant 0 : i32
    %dma_wait3A_65 = arith.constant 0 : i32
    %dma_wait3A_66 = arith.constant 0 : i32
    %dma_wait3A_67 = arith.constant 0 : i32
    %dma_wait3A_68 = tpu.memref_slice %arg6[%arg1, %dma_wait3A_64, %dma_wait3A_65, %dma_wait3A_66, %dma_wait3A_67] : memref<16x2x3x32x512xf32, #tpu.memory_space<vmem_shared>> -> memref<1x2x3x32x512xf32, #tpu.memory_space<vmem_shared>>
    %dma_wait3A_69 = tpu.memref_squeeze %dma_wait3A_68 : memref<1x2x3x32x512xf32, #tpu.memory_space<vmem_shared>> -> memref<2x3x32x512xf32, #tpu.memory_space<vmem_shared>>
    %dma_wait3A_70 = arith.constant 0 : i32
    %dma_wait3A_71 = arith.constant 0 : i32
    %dma_wait3A_72 = arith.constant 0 : i32
    %dma_wait3A_73 = tpu.memref_slice %dma_wait3A_69[%dma_wait3A_63, %dma_wait3A_70, %dma_wait3A_71, %dma_wait3A_72] : memref<2x3x32x512xf32, #tpu.memory_space<vmem_shared>> -> memref<1x2x32x512xf32, #tpu.memory_space<vmem_shared>>
    %dma_wait3A_74 = tpu.memref_squeeze %dma_wait3A_73 : memref<1x2x32x512xf32, #tpu.memory_space<vmem_shared>> -> memref<2x32x512xf32, #tpu.memory_space<vmem_shared>>
    %dma_wait3A_75 = arith.constant 0 : i32
    %dma_wait3A_76 = arith.constant 0 : i32
    %dma_wait3A_77 = arith.constant 0 : i32
    %dma_wait3A_78 = tpu.memref_slice %arg4[%dma_wait3A_75, %dma_wait3A_76, %dma_wait3A_77] : memref<67x1000x512xf32, #tpu.memory_space<hbm>> -> memref<2x32x512xf32, #tpu.memory_space<hbm>>
    tpu.wait_dma2 semaphore(%arg9 : memref<!tpu.dma_semaphore, #tpu.memory_space<semaphore_mem>>) src(%dma_wait3A_78 : memref<2x32x512xf32, #tpu.memory_space<hbm>>) dst(%dma_wait3A_74 : memref<2x32x512xf32, #tpu.memory_space<vmem_shared>>)
    %dma_start3A_79 = arith.constant 1 : i32
    %dma_start3A_80 = arith.constant 8 : i32
    %dma_start3A_81 = arith.constant 0 : i32
    %dma_start3A_82 = tpu.memref_slice %arg5[%dma_start3A_80, %multiple_of3A, %dma_start3A_81] : memref<77x1000x512xf32, #tpu.memory_space<hbm>> -> memref<2x32x512xf32, #tpu.memory_space<hbm>>
    %dma_start3A_83 = arith.constant 0 : i32
    %dma_start3A_84 = arith.constant 0 : i32
    %dma_start3A_85 = arith.constant 0 : i32
    %dma_start3A_86 = arith.constant 0 : i32
    %dma_start3A_87 = tpu.memref_slice %arg6[%arg1, %dma_start3A_83, %dma_start3A_84, %dma_start3A_85, %dma_start3A_86] : memref<16x2x3x32x512xf32, #tpu.memory_space<vmem_shared>> -> memref<1x2x3x32x512xf32, #tpu.memory_space<vmem_shared>>
    %dma_start3A_88 = tpu.memref_squeeze %dma_start3A_87 : memref<1x2x3x32x512xf32, #tpu.memory_space<vmem_shared>> -> memref<2x3x32x512xf32, #tpu.memory_space<vmem_shared>>
    %dma_start3A_89 = arith.constant 0 : i32
    %dma_start3A_90 = arith.constant 0 : i32
    %dma_start3A_91 = arith.constant 0 : i32
    %dma_start3A_92 = tpu.memref_slice %dma_start3A_88[%dma_start3A_79, %dma_start3A_89, %dma_start3A_90, %dma_start3A_91] : memref<2x3x32x512xf32, #tpu.memory_space<vmem_shared>> -> memref<1x2x32x512xf32, #tpu.memory_space<vmem_shared>>
    %dma_start3A_93 = tpu.memref_squeeze %dma_start3A_92 : memref<1x2x32x512xf32, #tpu.memory_space<vmem_shared>> -> memref<2x32x512xf32, #tpu.memory_space<vmem_shared>>
    tpu.enqueue_dma source(%dma_start3A_93 : memref<2x32x512xf32, #tpu.memory_space<vmem_shared>>) target(%dma_start3A_82 : memref<2x32x512xf32, #tpu.memory_space<hbm>>) target_semaphore(%arg10 : memref<!tpu.dma_semaphore, #tpu.memory_space<semaphore_mem>>)
    %dma_wait3A_94 = arith.constant 0 : i32
    %dma_wait3A_95 = arith.constant 0 : i32
    %dma_wait3A_96 = arith.constant 0 : i32
    %dma_wait3A_97 = arith.constant 0 : i32
    %dma_wait3A_98 = tpu.memref_slice %arg5[%dma_wait3A_95, %dma_wait3A_96, %dma_wait3A_97] : memref<77x1000x512xf32, #tpu.memory_space<hbm>> -> memref<3x32x512xf32, #tpu.memory_space<hbm>>
    %dma_wait3A_99 = arith.constant 0 : i32
    %dma_wait3A_100 = arith.constant 0 : i32
    %dma_wait3A_101 = arith.constant 0 : i32
    %dma_wait3A_102 = arith.constant 0 : i32
    %dma_wait3A_103 = tpu.memref_slice %arg6[%arg1, %dma_wait3A_99, %dma_wait3A_100, %dma_wait3A_101, %dma_wait3A_102] : memref<16x2x3x32x512xf32, #tpu.memory_space<vmem_shared>> -> memref<1x2x3x32x512xf32, #tpu.memory_space<vmem_shared>>
    %dma_wait3A_104 = tpu.memref_squeeze %dma_wait3A_103 : memref<1x2x3x32x512xf32, #tpu.memory_space<vmem_shared>> -> memref<2x3x32x512xf32, #tpu.memory_space<vmem_shared>>
    %dma_wait3A_105 = arith.constant 0 : i32
    %dma_wait3A_106 = arith.constant 0 : i32
    %dma_wait3A_107 = arith.constant 0 : i32
    %dma_wait3A_108 = tpu.memref_slice %dma_wait3A_104[%dma_wait3A_94, %dma_wait3A_105, %dma_wait3A_106, %dma_wait3A_107] : memref<2x3x32x512xf32, #tpu.memory_space<vmem_shared>> -> memref<1x3x32x512xf32, #tpu.memory_space<vmem_shared>>
    %dma_wait3A_109 = tpu.memref_squeeze %dma_wait3A_108 : memref<1x3x32x512xf32, #tpu.memory_space<vmem_shared>> -> memref<3x32x512xf32, #tpu.memory_space<vmem_shared>>
    tpu.wait_dma2 semaphore(%arg10 : memref<!tpu.dma_semaphore, #tpu.memory_space<semaphore_mem>>) src(%dma_wait3A_109 : memref<3x32x512xf32, #tpu.memory_space<vmem_shared>>) dst(%dma_wait3A_98 : memref<3x32x512xf32, #tpu.memory_space<hbm>>)
    %dma_wait3A_110 = arith.constant 0 : i32
    %dma_wait3A_111 = arith.constant 0 : i32
    %dma_wait3A_112 = arith.constant 0 : i32
    %dma_wait3A_113 = arith.constant 0 : i32
    %dma_wait3A_114 = tpu.memref_slice %arg5[%dma_wait3A_111, %dma_wait3A_112, %dma_wait3A_113] : memref<77x1000x512xf32, #tpu.memory_space<hbm>> -> memref<2x32x512xf32, #tpu.memory_space<hbm>>
    %dma_wait3A_115 = arith.constant 0 : i32
    %dma_wait3A_116 = arith.constant 0 : i32
    %dma_wait3A_117 = arith.constant 0 : i32
    %dma_wait3A_118 = arith.constant 0 : i32
    %dma_wait3A_119 = tpu.memref_slice %arg6[%arg1, %dma_wait3A_115, %dma_wait3A_116, %dma_wait3A_117, %dma_wait3A_118] : memref<16x2x3x32x512xf32, #tpu.memory_space<vmem_shared>> -> memref<1x2x3x32x512xf32, #tpu.memory_space<vmem_shared>>
    %dma_wait3A_120 = tpu.memref_squeeze %dma_wait3A_119 : memref<1x2x3x32x512xf32, #tpu.memory_space<vmem_shared>> -> memref<2x3x32x512xf32, #tpu.memory_space<vmem_shared>>
    %dma_wait3A_121 = arith.constant 0 : i32
    %dma_wait3A_122 = arith.constant 0 : i32
    %dma_wait3A_123 = arith.constant 0 : i32
    %dma_wait3A_124 = tpu.memref_slice %dma_wait3A_120[%dma_wait3A_110, %dma_wait3A_121, %dma_wait3A_122, %dma_wait3A_123] : memref<2x3x32x512xf32, #tpu.memory_space<vmem_shared>> -> memref<1x2x32x512xf32, #tpu.memory_space<vmem_shared>>
    %dma_wait3A_125 = tpu.memref_squeeze %dma_wait3A_124 : memref<1x2x32x512xf32, #tpu.memory_space<vmem_shared>> -> memref<2x32x512xf32, #tpu.memory_space<vmem_shared>>
    tpu.wait_dma2 semaphore(%arg10 : memref<!tpu.dma_semaphore, #tpu.memory_space<semaphore_mem>>) src(%dma_wait3A_125 : memref<2x32x512xf32, #tpu.memory_space<vmem_shared>>) dst(%dma_wait3A_114 : memref<2x32x512xf32, #tpu.memory_space<hbm>>)
    %dma_start3A_126 = arith.constant 0 : i32
    %dma_start3A_127 = arith.constant 0 : i32
    %dma_start3A_128 = arith.constant 0 : i32
    %dma_start3A_129 = arith.constant 0 : i32
    %dma_start3A_130 = arith.constant 0 : i32
    %dma_start3A_131 = tpu.memref_slice %arg6[%arg1, %dma_start3A_127, %dma_start3A_128, %dma_start3A_129, %dma_start3A_130] : memref<16x2x3x32x512xf32, #tpu.memory_space<vmem_shared>> -> memref<1x2x3x32x512xf32, #tpu.memory_space<vmem_shared>>
    %dma_start3A_132 = tpu.memref_squeeze %dma_start3A_131 : memref<1x2x3x32x512xf32, #tpu.memory_space<vmem_shared>> -> memref<2x3x32x512xf32, #tpu.memory_space<vmem_shared>>
    %dma_start3A_133 = arith.constant 0 : i32
    %dma_start3A_134 = arith.constant 0 : i32
    %dma_start3A_135 = arith.constant 0 : i32
    %dma_start3A_136 = tpu.memref_slice %dma_start3A_132[%dma_start3A_126, %dma_start3A_133, %dma_start3A_134, %dma_start3A_135] : memref<2x3x32x512xf32, #tpu.memory_space<vmem_shared>> -> memref<1x3x32x512xf32, #tpu.memory_space<vmem_shared>>
    %dma_start3A_137 = tpu.memref_squeeze %dma_start3A_136 : memref<1x3x32x512xf32, #tpu.memory_space<vmem_shared>> -> memref<3x32x512xf32, #tpu.memory_space<vmem_shared>>
    %dma_start3A_138 = arith.constant 0 : i32
    %dma_start3A_139 = arith.constant 0 : i32
    %dma_start3A_140 = tpu.memref_slice %arg4[%dma_start3A_138, %multiple_of3A, %dma_start3A_139] : memref<67x1000x512xf32, #tpu.memory_space<hbm>> -> memref<3x32x512xf32, #tpu.memory_space<hbm>>
    tpu.enqueue_dma source(%dma_start3A_140 : memref<3x32x512xf32, #tpu.memory_space<hbm>>) target(%dma_start3A_137 : memref<3x32x512xf32, #tpu.memory_space<vmem_shared>>) target_semaphore(%arg9 : memref<!tpu.dma_semaphore, #tpu.memory_space<semaphore_mem>>)
    %scan3A = arith.constant 0 : i32
    %scan3A_141 = arith.constant 0 : i32
    %scan3A_142 = arith.constant 22 : i32
    %scan3A_143 = arith.addi %scan3A_141, %scan3A_142 : i32
    %scan3A_144 = arith.constant 1 : i32
    scf.for %scan3A_950 = %scan3A_141 to %scan3A_143 step %scan3A_144  : i32 {
      %rem3A = arith.constant 2 : i32
      %rem3A_951 = arith.remsi %scan3A_950, %rem3A : i32
      %dma_wait3A_952 = arith.constant 0 : i32
      %dma_wait3A_953 = arith.constant 0 : i32
      %dma_wait3A_954 = arith.constant 0 : i32
      %dma_wait3A_955 = arith.constant 0 : i32
      %dma_wait3A_956 = arith.constant 0 : i32
      %dma_wait3A_957 = tpu.memref_slice %arg6[%arg1, %dma_wait3A_953, %dma_wait3A_954, %dma_wait3A_955, %dma_wait3A_956] : memref<16x2x3x32x512xf32, #tpu.memory_space<vmem_shared>> -> memref<1x2x3x32x512xf32, #tpu.memory_space<vmem_shared>>
      %dma_wait3A_958 = tpu.memref_squeeze %dma_wait3A_957 : memref<1x2x3x32x512xf32, #tpu.memory_space<vmem_shared>> -> memref<2x3x32x512xf32, #tpu.memory_space<vmem_shared>>
      %dma_wait3A_959 = arith.constant 0 : i32
      %dma_wait3A_960 = arith.constant 0 : i32
      %dma_wait3A_961 = arith.constant 0 : i32
      %dma_wait3A_962 = tpu.memref_slice %dma_wait3A_958[%dma_wait3A_952, %dma_wait3A_959, %dma_wait3A_960, %dma_wait3A_961] : memref<2x3x32x512xf32, #tpu.memory_space<vmem_shared>> -> memref<1x3x32x512xf32, #tpu.memory_space<vmem_shared>>
      %dma_wait3A_963 = tpu.memref_squeeze %dma_wait3A_962 : memref<1x3x32x512xf32, #tpu.memory_space<vmem_shared>> -> memref<3x32x512xf32, #tpu.memory_space<vmem_shared>>
      %dma_wait3A_964 = arith.constant 0 : i32
      %dma_wait3A_965 = arith.constant 0 : i32
      %dma_wait3A_966 = arith.constant 0 : i32
      %dma_wait3A_967 = tpu.memref_slice %arg4[%dma_wait3A_964, %dma_wait3A_965, %dma_wait3A_966] : memref<67x1000x512xf32, #tpu.memory_space<hbm>> -> memref<3x32x512xf32, #tpu.memory_space<hbm>>
      tpu.wait_dma2 semaphore(%arg9 : memref<!tpu.dma_semaphore, #tpu.memory_space<semaphore_mem>>) src(%dma_wait3A_967 : memref<3x32x512xf32, #tpu.memory_space<hbm>>) dst(%dma_wait3A_963 : memref<3x32x512xf32, #tpu.memory_space<vmem_shared>>)
      %mul3A_968 = arith.constant 3 : i32
      %mul3A_969 = arith.muli %mul3A_968, %scan3A_950 : i32
      %add3A_970 = arith.constant 10 : i32
      %add3A_971 = arith.addi %add3A_970, %mul3A_969 : i32
      %dma_start3A_972 = arith.constant 0 : i32
      %dma_start3A_973 = tpu.memref_slice %arg5[%add3A_971, %multiple_of3A, %dma_start3A_972] : memref<77x1000x512xf32, #tpu.memory_space<hbm>> -> memref<3x32x512xf32, #tpu.memory_space<hbm>>
      %dma_start3A_974 = arith.constant 0 : i32
      %dma_start3A_975 = arith.constant 0 : i32
      %dma_start3A_976 = arith.constant 0 : i32
      %dma_start3A_977 = arith.constant 0 : i32
      %dma_start3A_978 = tpu.memref_slice %arg6[%arg1, %dma_start3A_974, %dma_start3A_975, %dma_start3A_976, %dma_start3A_977] : memref<16x2x3x32x512xf32, #tpu.memory_space<vmem_shared>> -> memref<1x2x3x32x512xf32, #tpu.memory_space<vmem_shared>>
      %dma_start3A_979 = tpu.memref_squeeze %dma_start3A_978 : memref<1x2x3x32x512xf32, #tpu.memory_space<vmem_shared>> -> memref<2x3x32x512xf32, #tpu.memory_space<vmem_shared>>
      %dma_start3A_980 = arith.constant 0 : i32
      %dma_start3A_981 = arith.constant 0 : i32
      %dma_start3A_982 = arith.constant 0 : i32
      %dma_start3A_983 = tpu.memref_slice %dma_start3A_979[%rem3A_951, %dma_start3A_980, %dma_start3A_981, %dma_start3A_982] : memref<2x3x32x512xf32, #tpu.memory_space<vmem_shared>> -> memref<1x3x32x512xf32, #tpu.memory_space<vmem_shared>>
      %dma_start3A_984 = tpu.memref_squeeze %dma_start3A_983 : memref<1x3x32x512xf32, #tpu.memory_space<vmem_shared>> -> memref<3x32x512xf32, #tpu.memory_space<vmem_shared>>
      tpu.enqueue_dma source(%dma_start3A_984 : memref<3x32x512xf32, #tpu.memory_space<vmem_shared>>) target(%dma_start3A_973 : memref<3x32x512xf32, #tpu.memory_space<hbm>>) target_semaphore(%arg10 : memref<!tpu.dma_semaphore, #tpu.memory_space<semaphore_mem>>)
      %add3A_985 = arith.constant 1 : i32
      %add3A_986 = arith.addi %scan3A_950, %add3A_985 : i32
      %lt3A = arith.constant 22 : i32
      %lt3A_987 = arith.cmpi slt, %add3A_986, %lt3A : i32
      %convert_element_type3A = arith.extui %lt3A_987 : i1 to i32
      %cond3A = arith.constant 0 : i32
      %cond3A_988 = arith.cmpi ne, %convert_element_type3A, %cond3A : i32
      scf.if %cond3A_988 {
        %ge3A = arith.constant 1 : i32
        %ge3A_989 = arith.cmpi sge, %scan3A_950, %ge3A : i32
        %convert_element_type3A_990 = arith.extui %ge3A_989 : i1 to i32
        %cond3A_991 = arith.constant 0 : i32
        %cond3A_992 = arith.cmpi ne, %convert_element_type3A_990, %cond3A_991 : i32
        scf.if %cond3A_992 {
          %dma_wait3A_1011 = arith.constant 0 : i32
          %dma_wait3A_1012 = arith.constant 0 : i32
          %dma_wait3A_1013 = arith.constant 0 : i32
          %dma_wait3A_1014 = arith.constant 0 : i32
          %dma_wait3A_1015 = tpu.memref_slice %arg5[%dma_wait3A_1012, %dma_wait3A_1013, %dma_wait3A_1014] : memref<77x1000x512xf32, #tpu.memory_space<hbm>> -> memref<3x32x512xf32, #tpu.memory_space<hbm>>
          %dma_wait3A_1016 = arith.constant 0 : i32
          %dma_wait3A_1017 = arith.constant 0 : i32
          %dma_wait3A_1018 = arith.constant 0 : i32
          %dma_wait3A_1019 = arith.constant 0 : i32
          %dma_wait3A_1020 = tpu.memref_slice %arg6[%arg1, %dma_wait3A_1016, %dma_wait3A_1017, %dma_wait3A_1018, %dma_wait3A_1019] : memref<16x2x3x32x512xf32, #tpu.memory_space<vmem_shared>> -> memref<1x2x3x32x512xf32, #tpu.memory_space<vmem_shared>>
          %dma_wait3A_1021 = tpu.memref_squeeze %dma_wait3A_1020 : memref<1x2x3x32x512xf32, #tpu.memory_space<vmem_shared>> -> memref<2x3x32x512xf32, #tpu.memory_space<vmem_shared>>
          %dma_wait3A_1022 = arith.constant 0 : i32
          %dma_wait3A_1023 = arith.constant 0 : i32
          %dma_wait3A_1024 = arith.constant 0 : i32
          %dma_wait3A_1025 = tpu.memref_slice %dma_wait3A_1021[%dma_wait3A_1011, %dma_wait3A_1022, %dma_wait3A_1023, %dma_wait3A_1024] : memref<2x3x32x512xf32, #tpu.memory_space<vmem_shared>> -> memref<1x3x32x512xf32, #tpu.memory_space<vmem_shared>>
          %dma_wait3A_1026 = tpu.memref_squeeze %dma_wait3A_1025 : memref<1x3x32x512xf32, #tpu.memory_space<vmem_shared>> -> memref<3x32x512xf32, #tpu.memory_space<vmem_shared>>
          tpu.wait_dma2 semaphore(%arg10 : memref<!tpu.dma_semaphore, #tpu.memory_space<semaphore_mem>>) src(%dma_wait3A_1026 : memref<3x32x512xf32, #tpu.memory_space<vmem_shared>>) dst(%dma_wait3A_1015 : memref<3x32x512xf32, #tpu.memory_space<hbm>>)
        } else {
        }
        %add3A_993 = arith.constant 1 : i32
        %add3A_994 = arith.addi %scan3A_950, %add3A_993 : i32
        %mul3A_995 = arith.constant 3 : i32
        %mul3A_996 = arith.muli %mul3A_995, %add3A_994 : i32
        %sub3A = arith.constant 1 : i32
        %sub3A_997 = arith.subi %sub3A, %rem3A_951 : i32
        %dma_start3A_998 = arith.constant 0 : i32
        %dma_start3A_999 = arith.constant 0 : i32
        %dma_start3A_1000 = arith.constant 0 : i32
        %dma_start3A_1001 = arith.constant 0 : i32
        %dma_start3A_1002 = tpu.memref_slice %arg6[%arg1, %dma_start3A_998, %dma_start3A_999, %dma_start3A_1000, %dma_start3A_1001] : memref<16x2x3x32x512xf32, #tpu.memory_space<vmem_shared>> -> memref<1x2x3x32x512xf32, #tpu.memory_space<vmem_shared>>
        %dma_start3A_1003 = tpu.memref_squeeze %dma_start3A_1002 : memref<1x2x3x32x512xf32, #tpu.memory_space<vmem_shared>> -> memref<2x3x32x512xf32, #tpu.memory_space<vmem_shared>>
        %dma_start3A_1004 = arith.constant 0 : i32
        %dma_start3A_1005 = arith.constant 0 : i32
        %dma_start3A_1006 = arith.constant 0 : i32
        %dma_start3A_1007 = tpu.memref_slice %dma_start3A_1003[%sub3A_997, %dma_start3A_1004, %dma_start3A_1005, %dma_start3A_1006] : memref<2x3x32x512xf32, #tpu.memory_space<vmem_shared>> -> memref<1x3x32x512xf32, #tpu.memory_space<vmem_shared>>
        %dma_start3A_1008 = tpu.memref_squeeze %dma_start3A_1007 : memref<1x3x32x512xf32, #tpu.memory_space<vmem_shared>> -> memref<3x32x512xf32, #tpu.memory_space<vmem_shared>>
        %dma_start3A_1009 = arith.constant 0 : i32
        %dma_start3A_1010 = tpu.memref_slice %arg4[%mul3A_996, %multiple_of3A, %dma_start3A_1009] : memref<67x1000x512xf32, #tpu.memory_space<hbm>> -> memref<3x32x512xf32, #tpu.memory_space<hbm>>
        tpu.enqueue_dma source(%dma_start3A_1010 : memref<3x32x512xf32, #tpu.memory_space<hbm>>) target(%dma_start3A_1008 : memref<3x32x512xf32, #tpu.memory_space<vmem_shared>>) target_semaphore(%arg9 : memref<!tpu.dma_semaphore, #tpu.memory_space<semaphore_mem>>)
      } else {
      }
    }
    %scan3A_145 = arith.constant 22 : i32
    %dma_wait3A_146 = arith.constant 0 : i32
    %dma_wait3A_147 = arith.constant 0 : i32
    %dma_wait3A_148 = arith.constant 0 : i32
    %dma_wait3A_149 = arith.constant 0 : i32
    %dma_wait3A_150 = tpu.memref_slice %arg5[%dma_wait3A_147, %dma_wait3A_148, %dma_wait3A_149] : memref<77x1000x512xf32, #tpu.memory_space<hbm>> -> memref<3x32x512xf32, #tpu.memory_space<hbm>>
    %dma_wait3A_151 = arith.constant 0 : i32
    %dma_wait3A_152 = arith.constant 0 : i32
    %dma_wait3A_153 = arith.constant 0 : i32
    %dma_wait3A_154 = arith.constant 0 : i32
    %dma_wait3A_155 = tpu.memref_slice %arg6[%arg1, %dma_wait3A_151, %dma_wait3A_152, %dma_wait3A_153, %dma_wait3A_154] : memref<16x2x3x32x512xf32, #tpu.memory_space<vmem_shared>> -> memref<1x2x3x32x512xf32, #tpu.memory_space<vmem_shared>>
    %dma_wait3A_156 = tpu.memref_squeeze %dma_wait3A_155 : memref<1x2x3x32x512xf32, #tpu.memory_space<vmem_shared>> -> memref<2x3x32x512xf32, #tpu.memory_space<vmem_shared>>
    %dma_wait3A_157 = arith.constant 0 : i32
    %dma_wait3A_158 = arith.constant 0 : i32
    %dma_wait3A_159 = arith.constant 0 : i32
    %dma_wait3A_160 = tpu.memref_slice %dma_wait3A_156[%dma_wait3A_146, %dma_wait3A_157, %dma_wait3A_158, %dma_wait3A_159] : memref<2x3x32x512xf32, #tpu.memory_space<vmem_shared>> -> memref<1x3x32x512xf32, #tpu.memory_space<vmem_shared>>
    %dma_wait3A_161 = tpu.memref_squeeze %dma_wait3A_160 : memref<1x3x32x512xf32, #tpu.memory_space<vmem_shared>> -> memref<3x32x512xf32, #tpu.memory_space<vmem_shared>>
    tpu.wait_dma2 semaphore(%arg10 : memref<!tpu.dma_semaphore, #tpu.memory_space<semaphore_mem>>) src(%dma_wait3A_161 : memref<3x32x512xf32, #tpu.memory_space<vmem_shared>>) dst(%dma_wait3A_150 : memref<3x32x512xf32, #tpu.memory_space<hbm>>)
    %dma_start3A_162 = arith.constant 0 : i32
    %dma_start3A_163 = arith.constant 0 : i32
    %dma_start3A_164 = arith.constant 0 : i32
    %dma_start3A_165 = arith.constant 0 : i32
    %dma_start3A_166 = arith.constant 0 : i32
    %dma_start3A_167 = tpu.memref_slice %arg6[%arg1, %dma_start3A_163, %dma_start3A_164, %dma_start3A_165, %dma_start3A_166] : memref<16x2x3x32x512xf32, #tpu.memory_space<vmem_shared>> -> memref<1x2x3x32x512xf32, #tpu.memory_space<vmem_shared>>
    %dma_start3A_168 = tpu.memref_squeeze %dma_start3A_167 : memref<1x2x3x32x512xf32, #tpu.memory_space<vmem_shared>> -> memref<2x3x32x512xf32, #tpu.memory_space<vmem_shared>>
    %dma_start3A_169 = arith.constant 0 : i32
    %dma_start3A_170 = arith.constant 0 : i32
    %dma_start3A_171 = arith.constant 0 : i32
    %dma_start3A_172 = tpu.memref_slice %dma_start3A_168[%dma_start3A_162, %dma_start3A_169, %dma_start3A_170, %dma_start3A_171] : memref<2x3x32x512xf32, #tpu.memory_space<vmem_shared>> -> memref<1x1x32x512xf32, #tpu.memory_space<vmem_shared>>
    %dma_start3A_173 = tpu.memref_squeeze %dma_start3A_172 : memref<1x1x32x512xf32, #tpu.memory_space<vmem_shared>> -> memref<1x32x512xf32, #tpu.memory_space<vmem_shared>>
    %dma_start3A_174 = arith.constant 66 : i32
    %dma_start3A_175 = arith.constant 0 : i32
    %dma_start3A_176 = tpu.memref_slice %arg4[%dma_start3A_174, %multiple_of3A, %dma_start3A_175] : memref<67x1000x512xf32, #tpu.memory_space<hbm>> -> memref<1x32x512xf32, #tpu.memory_space<hbm>>
    tpu.enqueue_dma source(%dma_start3A_176 : memref<1x32x512xf32, #tpu.memory_space<hbm>>) target(%dma_start3A_173 : memref<1x32x512xf32, #tpu.memory_space<vmem_shared>>) target_semaphore(%arg9 : memref<!tpu.dma_semaphore, #tpu.memory_space<semaphore_mem>>)
    %dma_wait3A_177 = arith.constant 0 : i32
    %dma_wait3A_178 = arith.constant 0 : i32
    %dma_wait3A_179 = arith.constant 0 : i32
    %dma_wait3A_180 = arith.constant 0 : i32
    %dma_wait3A_181 = arith.constant 0 : i32
    %dma_wait3A_182 = tpu.memref_slice %arg6[%arg1, %dma_wait3A_178, %dma_wait3A_179, %dma_wait3A_180, %dma_wait3A_181] : memref<16x2x3x32x512xf32, #tpu.memory_space<vmem_shared>> -> memref<1x2x3x32x512xf32, #tpu.memory_space<vmem_shared>>
    %dma_wait3A_183 = tpu.memref_squeeze %dma_wait3A_182 : memref<1x2x3x32x512xf32, #tpu.memory_space<vmem_shared>> -> memref<2x3x32x512xf32, #tpu.memory_space<vmem_shared>>
    %dma_wait3A_184 = arith.constant 0 : i32
    %dma_wait3A_185 = arith.constant 0 : i32
    %dma_wait3A_186 = arith.constant 0 : i32
    %dma_wait3A_187 = tpu.memref_slice %dma_wait3A_183[%dma_wait3A_177, %dma_wait3A_184, %dma_wait3A_185, %dma_wait3A_186] : memref<2x3x32x512xf32, #tpu.memory_space<vmem_shared>> -> memref<1x1x32x512xf32, #tpu.memory_space<vmem_shared>>
    %dma_wait3A_188 = tpu.memref_squeeze %dma_wait3A_187 : memref<1x1x32x512xf32, #tpu.memory_space<vmem_shared>> -> memref<1x32x512xf32, #tpu.memory_space<vmem_shared>>
    %dma_wait3A_189 = arith.constant 0 : i32
    %dma_wait3A_190 = arith.constant 0 : i32
    %dma_wait3A_191 = arith.constant 0 : i32
    %dma_wait3A_192 = tpu.memref_slice %arg4[%dma_wait3A_189, %dma_wait3A_190, %dma_wait3A_191] : memref<67x1000x512xf32, #tpu.memory_space<hbm>> -> memref<1x32x512xf32, #tpu.memory_space<hbm>>
    tpu.wait_dma2 semaphore(%arg9 : memref<!tpu.dma_semaphore, #tpu.memory_space<semaphore_mem>>) src(%dma_wait3A_192 : memref<1x32x512xf32, #tpu.memory_space<hbm>>) dst(%dma_wait3A_188 : memref<1x32x512xf32, #tpu.memory_space<vmem_shared>>)
    %dma_start3A_193 = arith.constant 0 : i32
    %dma_start3A_194 = arith.constant 76 : i32
    %dma_start3A_195 = arith.constant 0 : i32
    %dma_start3A_196 = tpu.memref_slice %arg5[%dma_start3A_194, %multiple_of3A, %dma_start3A_195] : memref<77x1000x512xf32, #tpu.memory_space<hbm>> -> memref<1x32x512xf32, #tpu.memory_space<hbm>>
    %dma_start3A_197 = arith.constant 0 : i32
    %dma_start3A_198 = arith.constant 0 : i32
    %dma_start3A_199 = arith.constant 0 : i32
    %dma_start3A_200 = arith.constant 0 : i32
    %dma_start3A_201 = tpu.memref_slice %arg6[%arg1, %dma_start3A_197, %dma_start3A_198, %dma_start3A_199, %dma_start3A_200] : memref<16x2x3x32x512xf32, #tpu.memory_space<vmem_shared>> -> memref<1x2x3x32x512xf32, #tpu.memory_space<vmem_shared>>
    %dma_start3A_202 = tpu.memref_squeeze %dma_start3A_201 : memref<1x2x3x32x512xf32, #tpu.memory_space<vmem_shared>> -> memref<2x3x32x512xf32, #tpu.memory_space<vmem_shared>>
    %dma_start3A_203 = arith.constant 0 : i32
    %dma_start3A_204 = arith.constant 0 : i32
    %dma_start3A_205 = arith.constant 0 : i32
    %dma_start3A_206 = tpu.memref_slice %dma_start3A_202[%dma_start3A_193, %dma_start3A_203, %dma_start3A_204, %dma_start3A_205] : memref<2x3x32x512xf32, #tpu.memory_space<vmem_shared>> -> memref<1x1x32x512xf32, #tpu.memory_space<vmem_shared>>
    %dma_start3A_207 = tpu.memref_squeeze %dma_start3A_206 : memref<1x1x32x512xf32, #tpu.memory_space<vmem_shared>> -> memref<1x32x512xf32, #tpu.memory_space<vmem_shared>>
    tpu.enqueue_dma source(%dma_start3A_207 : memref<1x32x512xf32, #tpu.memory_space<vmem_shared>>) target(%dma_start3A_196 : memref<1x32x512xf32, #tpu.memory_space<hbm>>) target_semaphore(%arg10 : memref<!tpu.dma_semaphore, #tpu.memory_space<semaphore_mem>>)
    %scan3A_208 = arith.constant 0 : i32
    %scan3A_209 = arith.constant 0 : i32
    %scan3A_210 = arith.constant 32 : i32
    %scan3A_211 = arith.addi %scan3A_209, %scan3A_210 : i32
    %scan3A_212 = arith.constant 1 : i32
    scf.for %scan3A_950 = %scan3A_209 to %scan3A_211 step %scan3A_212  : i32 {
      %mul3A_951 = arith.constant 16 : i32
      %mul3A_952 = arith.muli %scan3A_950, %mul3A_951 : i32
      %get3A = arith.constant 0 : i32
      %get3A_953 = arith.index_cast %get3A : i32 to index
      %get3A_954 = arith.index_cast %mul3A_952 : i32 to index
      %get3A_955 = tpu.vector_load %arg7[%get3A_953, %get3A_954] {strides = array<i32>} : memref<5x512xf32, #tpu.memory_space<vmem>>, vector<1x16xf32>,
      %get3A_956 = vector.shape_cast %get3A_955 : vector<1x16xf32> to vector<16xf32>
      %swap3A = arith.constant 0 : i32
      %swap3A_957 = arith.constant 0 : i32
      %swap3A_958 = arith.index_cast %swap3A : i32 to index
      %swap3A_959 = arith.index_cast %swap3A_957 : i32 to index
      %swap3A_960 = arith.index_cast %mul3A_952 : i32 to index
      %swap3A_961 = tpu.vector_load %arg8[%swap3A_958, %swap3A_959, %swap3A_960] {strides = array<i32>} : memref<5x8x512xf32, #tpu.memory_space<vmem>>, vector<1x1x16xf32>,
      %swap3A_962 = vector.shape_cast %swap3A_961 : vector<1x1x16xf32> to vector<16xf32>
      %swap3A_963 = vector.shape_cast %get3A_956 : vector<16xf32> to vector<1x1x16xf32>
      tpu.vector_store %arg8[%swap3A_958, %swap3A_959, %swap3A_960], %swap3A_963 {strides = array<i32>} : memref<5x8x512xf32, #tpu.memory_space<vmem>>, vector<1x1x16xf32>,
      %swap3A_964 = arith.constant 0 : i32
      %swap3A_965 = arith.constant 1 : i32
      %swap3A_966 = arith.index_cast %swap3A_964 : i32 to index
      %swap3A_967 = arith.index_cast %swap3A_965 : i32 to index
      %swap3A_968 = arith.index_cast %mul3A_952 : i32 to index
      %swap3A_969 = tpu.vector_load %arg8[%swap3A_966, %swap3A_967, %swap3A_968] {strides = array<i32>} : memref<5x8x512xf32, #tpu.memory_space<vmem>>, vector<1x1x16xf32>,
      %swap3A_970 = vector.shape_cast %swap3A_969 : vector<1x1x16xf32> to vector<16xf32>
      %swap3A_971 = vector.shape_cast %get3A_956 : vector<16xf32> to vector<1x1x16xf32>
      tpu.vector_store %arg8[%swap3A_966, %swap3A_967, %swap3A_968], %swap3A_971 {strides = array<i32>} : memref<5x8x512xf32, #tpu.memory_space<vmem>>, vector<1x1x16xf32>,
      %swap3A_972 = arith.constant 0 : i32
      %swap3A_973 = arith.constant 2 : i32
      %swap3A_974 = arith.index_cast %swap3A_972 : i32 to index
      %swap3A_975 = arith.index_cast %swap3A_973 : i32 to index
      %swap3A_976 = arith.index_cast %mul3A_952 : i32 to index
      %swap3A_977 = tpu.vector_load %arg8[%swap3A_974, %swap3A_975, %swap3A_976] {strides = array<i32>} : memref<5x8x512xf32, #tpu.memory_space<vmem>>, vector<1x1x16xf32>,
      %swap3A_978 = vector.shape_cast %swap3A_977 : vector<1x1x16xf32> to vector<16xf32>
      %swap3A_979 = vector.shape_cast %get3A_956 : vector<16xf32> to vector<1x1x16xf32>
      tpu.vector_store %arg8[%swap3A_974, %swap3A_975, %swap3A_976], %swap3A_979 {strides = array<i32>} : memref<5x8x512xf32, #tpu.memory_space<vmem>>, vector<1x1x16xf32>,
      %swap3A_980 = arith.constant 0 : i32
      %swap3A_981 = arith.constant 3 : i32
      %swap3A_982 = arith.index_cast %swap3A_980 : i32 to index
      %swap3A_983 = arith.index_cast %swap3A_981 : i32 to index
      %swap3A_984 = arith.index_cast %mul3A_952 : i32 to index
      %swap3A_985 = tpu.vector_load %arg8[%swap3A_982, %swap3A_983, %swap3A_984] {strides = array<i32>} : memref<5x8x512xf32, #tpu.memory_space<vmem>>, vector<1x1x16xf32>,
      %swap3A_986 = vector.shape_cast %swap3A_985 : vector<1x1x16xf32> to vector<16xf32>
      %swap3A_987 = vector.shape_cast %get3A_956 : vector<16xf32> to vector<1x1x16xf32>
      tpu.vector_store %arg8[%swap3A_982, %swap3A_983, %swap3A_984], %swap3A_987 {strides = array<i32>} : memref<5x8x512xf32, #tpu.memory_space<vmem>>, vector<1x1x16xf32>,
      %swap3A_988 = arith.constant 0 : i32
      %swap3A_989 = arith.constant 4 : i32
      %swap3A_990 = arith.index_cast %swap3A_988 : i32 to index
      %swap3A_991 = arith.index_cast %swap3A_989 : i32 to index
      %swap3A_992 = arith.index_cast %mul3A_952 : i32 to index
      %swap3A_993 = tpu.vector_load %arg8[%swap3A_990, %swap3A_991, %swap3A_992] {strides = array<i32>} : memref<5x8x512xf32, #tpu.memory_space<vmem>>, vector<1x1x16xf32>,
      %swap3A_994 = vector.shape_cast %swap3A_993 : vector<1x1x16xf32> to vector<16xf32>
      %swap3A_995 = vector.shape_cast %get3A_956 : vector<16xf32> to vector<1x1x16xf32>
      tpu.vector_store %arg8[%swap3A_990, %swap3A_991, %swap3A_992], %swap3A_995 {strides = array<i32>} : memref<5x8x512xf32, #tpu.memory_space<vmem>>, vector<1x1x16xf32>,
      %swap3A_996 = arith.constant 0 : i32
      %swap3A_997 = arith.constant 5 : i32
      %swap3A_998 = arith.index_cast %swap3A_996 : i32 to index
      %swap3A_999 = arith.index_cast %swap3A_997 : i32 to index
      %swap3A_1000 = arith.index_cast %mul3A_952 : i32 to index
      %swap3A_1001 = tpu.vector_load %arg8[%swap3A_998, %swap3A_999, %swap3A_1000] {strides = array<i32>} : memref<5x8x512xf32, #tpu.memory_space<vmem>>, vector<1x1x16xf32>,
      %swap3A_1002 = vector.shape_cast %swap3A_1001 : vector<1x1x16xf32> to vector<16xf32>
      %swap3A_1003 = vector.shape_cast %get3A_956 : vector<16xf32> to vector<1x1x16xf32>
      tpu.vector_store %arg8[%swap3A_998, %swap3A_999, %swap3A_1000], %swap3A_1003 {strides = array<i32>} : memref<5x8x512xf32, #tpu.memory_space<vmem>>, vector<1x1x16xf32>,
      %swap3A_1004 = arith.constant 0 : i32
      %swap3A_1005 = arith.constant 6 : i32
      %swap3A_1006 = arith.index_cast %swap3A_1004 : i32 to index
      %swap3A_1007 = arith.index_cast %swap3A_1005 : i32 to index
      %swap3A_1008 = arith.index_cast %mul3A_952 : i32 to index
      %swap3A_1009 = tpu.vector_load %arg8[%swap3A_1006, %swap3A_1007, %swap3A_1008] {strides = array<i32>} : memref<5x8x512xf32, #tpu.memory_space<vmem>>, vector<1x1x16xf32>,
      %swap3A_1010 = vector.shape_cast %swap3A_1009 : vector<1x1x16xf32> to vector<16xf32>
      %swap3A_1011 = vector.shape_cast %get3A_956 : vector<16xf32> to vector<1x1x16xf32>
      tpu.vector_store %arg8[%swap3A_1006, %swap3A_1007, %swap3A_1008], %swap3A_1011 {strides = array<i32>} : memref<5x8x512xf32, #tpu.memory_space<vmem>>, vector<1x1x16xf32>,
      %swap3A_1012 = arith.constant 0 : i32
      %swap3A_1013 = arith.constant 7 : i32
      %swap3A_1014 = arith.index_cast %swap3A_1012 : i32 to index
      %swap3A_1015 = arith.index_cast %swap3A_1013 : i32 to index
      %swap3A_1016 = arith.index_cast %mul3A_952 : i32 to index
      %swap3A_1017 = tpu.vector_load %arg8[%swap3A_1014, %swap3A_1015, %swap3A_1016] {strides = array<i32>} : memref<5x8x512xf32, #tpu.memory_space<vmem>>, vector<1x1x16xf32>,
      %swap3A_1018 = vector.shape_cast %swap3A_1017 : vector<1x1x16xf32> to vector<16xf32>
      %swap3A_1019 = vector.shape_cast %get3A_956 : vector<16xf32> to vector<1x1x16xf32>
      tpu.vector_store %arg8[%swap3A_1014, %swap3A_1015, %swap3A_1016], %swap3A_1019 {strides = array<i32>} : memref<5x8x512xf32, #tpu.memory_space<vmem>>, vector<1x1x16xf32>,
    }
    %scan3A_213 = arith.constant 32 : i32
    %add3A_214 = arith.constant 0 : i32
    %add3A_215 = arith.addi %multiple_of3A, %add3A_214 : i32
    %dma_start3A_216 = arith.constant 0 : i32
    %dma_start3A_217 = arith.constant 0 : i32
    %dma_start3A_218 = arith.constant 0 : i32
    %dma_start3A_219 = arith.constant 0 : i32
    %dma_start3A_220 = tpu.memref_slice %arg8[%dma_start3A_216, %dma_start3A_218, %dma_start3A_219] : memref<5x8x512xf32, #tpu.memory_space<vmem>> -> memref<1x8x512xf32, #tpu.memory_space<vmem>>
    %dma_start3A_221 = tpu.memref_squeeze %dma_start3A_220 : memref<1x8x512xf32, #tpu.memory_space<vmem>> -> memref<8x512xf32, #tpu.memory_space<vmem>>
    %dma_start3A_222 = arith.constant 0 : i32
    %dma_start3A_223 = tpu.memref_slice %arg5[%dma_start3A_217, %add3A_215, %dma_start3A_222] : memref<77x1000x512xf32, #tpu.memory_space<hbm>> -> memref<1x8x512xf32, #tpu.memory_space<hbm>>
    %dma_start3A_224 = tpu.memref_squeeze %dma_start3A_223 : memref<1x8x512xf32, #tpu.memory_space<hbm>> -> memref<8x512xf32, #tpu.memory_space<hbm>>
    %dma_start3A_225 = arith.constant 0 : i32
    %dma_start3A_226 = tpu.memref_slice %arg5[%dma_start3A_217, %add3A_215, %dma_start3A_225] : memref<77x1000x512xf32, #tpu.memory_space<hbm>> -> memref<1x8x512xf32, #tpu.memory_space<hbm>>
    %dma_start3A_227 = tpu.memref_squeeze %dma_start3A_226 : memref<1x8x512xf32, #tpu.memory_space<hbm>> -> memref<8x512xf32, #tpu.memory_space<hbm>>
    %dma_start3A_228 = arith.constant 0 : i32
    %dma_start3A_229 = arith.constant 0 : i32
    %dma_start3A_230 = tpu.memref_slice %arg8[%dma_start3A_216, %dma_start3A_228, %dma_start3A_229] : memref<5x8x512xf32, #tpu.memory_space<vmem>> -> memref<1x8x512xf32, #tpu.memory_space<vmem>>
    %dma_start3A_231 = tpu.memref_squeeze %dma_start3A_230 : memref<1x8x512xf32, #tpu.memory_space<vmem>> -> memref<8x512xf32, #tpu.memory_space<vmem>>
    tpu.enqueue_dma source(%dma_start3A_231 : memref<8x512xf32, #tpu.memory_space<vmem>>) target(%dma_start3A_227 : memref<8x512xf32, #tpu.memory_space<hbm>>) target_semaphore(%arg10 : memref<!tpu.dma_semaphore, #tpu.memory_space<semaphore_mem>>)
    %add3A_232 = arith.constant 8 : i32
    %add3A_233 = arith.addi %multiple_of3A, %add3A_232 : i32
    %dma_start3A_234 = arith.constant 0 : i32
    %dma_start3A_235 = arith.constant 0 : i32
    %dma_start3A_236 = arith.constant 0 : i32
    %dma_start3A_237 = arith.constant 0 : i32
    %dma_start3A_238 = tpu.memref_slice %arg8[%dma_start3A_234, %dma_start3A_236, %dma_start3A_237] : memref<5x8x512xf32, #tpu.memory_space<vmem>> -> memref<1x8x512xf32, #tpu.memory_space<vmem>>
    %dma_start3A_239 = tpu.memref_squeeze %dma_start3A_238 : memref<1x8x512xf32, #tpu.memory_space<vmem>> -> memref<8x512xf32, #tpu.memory_space<vmem>>
    %dma_start3A_240 = arith.constant 0 : i32
    %dma_start3A_241 = tpu.memref_slice %arg5[%dma_start3A_235, %add3A_233, %dma_start3A_240] : memref<77x1000x512xf32, #tpu.memory_space<hbm>> -> memref<1x8x512xf32, #tpu.memory_space<hbm>>
    %dma_start3A_242 = tpu.memref_squeeze %dma_start3A_241 : memref<1x8x512xf32, #tpu.memory_space<hbm>> -> memref<8x512xf32, #tpu.memory_space<hbm>>
    %dma_start3A_243 = arith.constant 0 : i32
    %dma_start3A_244 = tpu.memref_slice %arg5[%dma_start3A_235, %add3A_233, %dma_start3A_243] : memref<77x1000x512xf32, #tpu.memory_space<hbm>> -> memref<1x8x512xf32, #tpu.memory_space<hbm>>
    %dma_start3A_245 = tpu.memref_squeeze %dma_start3A_244 : memref<1x8x512xf32, #tpu.memory_space<hbm>> -> memref<8x512xf32, #tpu.memory_space<hbm>>
    %dma_start3A_246 = arith.constant 0 : i32
    %dma_start3A_247 = arith.constant 0 : i32
    %dma_start3A_248 = tpu.memref_slice %arg8[%dma_start3A_234, %dma_start3A_246, %dma_start3A_247] : memref<5x8x512xf32, #tpu.memory_space<vmem>> -> memref<1x8x512xf32, #tpu.memory_space<vmem>>
    %dma_start3A_249 = tpu.memref_squeeze %dma_start3A_248 : memref<1x8x512xf32, #tpu.memory_space<vmem>> -> memref<8x512xf32, #tpu.memory_space<vmem>>
    tpu.enqueue_dma source(%dma_start3A_249 : memref<8x512xf32, #tpu.memory_space<vmem>>) target(%dma_start3A_245 : memref<8x512xf32, #tpu.memory_space<hbm>>) target_semaphore(%arg10 : memref<!tpu.dma_semaphore, #tpu.memory_space<semaphore_mem>>)
    %add3A_250 = arith.constant 16 : i32
    %add3A_251 = arith.addi %multiple_of3A, %add3A_250 : i32
    %dma_start3A_252 = arith.constant 0 : i32
    %dma_start3A_253 = arith.constant 0 : i32
    %dma_start3A_254 = arith.constant 0 : i32
    %dma_start3A_255 = arith.constant 0 : i32
    %dma_start3A_256 = tpu.memref_slice %arg8[%dma_start3A_252, %dma_start3A_254, %dma_start3A_255] : memref<5x8x512xf32, #tpu.memory_space<vmem>> -> memref<1x8x512xf32, #tpu.memory_space<vmem>>
    %dma_start3A_257 = tpu.memref_squeeze %dma_start3A_256 : memref<1x8x512xf32, #tpu.memory_space<vmem>> -> memref<8x512xf32, #tpu.memory_space<vmem>>
    %dma_start3A_258 = arith.constant 0 : i32
    %dma_start3A_259 = tpu.memref_slice %arg5[%dma_start3A_253, %add3A_251, %dma_start3A_258] : memref<77x1000x512xf32, #tpu.memory_space<hbm>> -> memref<1x8x512xf32, #tpu.memory_space<hbm>>
    %dma_start3A_260 = tpu.memref_squeeze %dma_start3A_259 : memref<1x8x512xf32, #tpu.memory_space<hbm>> -> memref<8x512xf32, #tpu.memory_space<hbm>>
    %dma_start3A_261 = arith.constant 0 : i32
    %dma_start3A_262 = tpu.memref_slice %arg5[%dma_start3A_253, %add3A_251, %dma_start3A_261] : memref<77x1000x512xf32, #tpu.memory_space<hbm>> -> memref<1x8x512xf32, #tpu.memory_space<hbm>>
    %dma_start3A_263 = tpu.memref_squeeze %dma_start3A_262 : memref<1x8x512xf32, #tpu.memory_space<hbm>> -> memref<8x512xf32, #tpu.memory_space<hbm>>
    %dma_start3A_264 = arith.constant 0 : i32
    %dma_start3A_265 = arith.constant 0 : i32
    %dma_start3A_266 = tpu.memref_slice %arg8[%dma_start3A_252, %dma_start3A_264, %dma_start3A_265] : memref<5x8x512xf32, #tpu.memory_space<vmem>> -> memref<1x8x512xf32, #tpu.memory_space<vmem>>
    %dma_start3A_267 = tpu.memref_squeeze %dma_start3A_266 : memref<1x8x512xf32, #tpu.memory_space<vmem>> -> memref<8x512xf32, #tpu.memory_space<vmem>>
    tpu.enqueue_dma source(%dma_start3A_267 : memref<8x512xf32, #tpu.memory_space<vmem>>) target(%dma_start3A_263 : memref<8x512xf32, #tpu.memory_space<hbm>>) target_semaphore(%arg10 : memref<!tpu.dma_semaphore, #tpu.memory_space<semaphore_mem>>)
    %add3A_268 = arith.constant 24 : i32
    %add3A_269 = arith.addi %multiple_of3A, %add3A_268 : i32
    %dma_start3A_270 = arith.constant 0 : i32
    %dma_start3A_271 = arith.constant 0 : i32
    %dma_start3A_272 = arith.constant 0 : i32
    %dma_start3A_273 = arith.constant 0 : i32
    %dma_start3A_274 = tpu.memref_slice %arg8[%dma_start3A_270, %dma_start3A_272, %dma_start3A_273] : memref<5x8x512xf32, #tpu.memory_space<vmem>> -> memref<1x8x512xf32, #tpu.memory_space<vmem>>
    %dma_start3A_275 = tpu.memref_squeeze %dma_start3A_274 : memref<1x8x512xf32, #tpu.memory_space<vmem>> -> memref<8x512xf32, #tpu.memory_space<vmem>>
    %dma_start3A_276 = arith.constant 0 : i32
    %dma_start3A_277 = tpu.memref_slice %arg5[%dma_start3A_271, %add3A_269, %dma_start3A_276] : memref<77x1000x512xf32, #tpu.memory_space<hbm>> -> memref<1x8x512xf32, #tpu.memory_space<hbm>>
    %dma_start3A_278 = tpu.memref_squeeze %dma_start3A_277 : memref<1x8x512xf32, #tpu.memory_space<hbm>> -> memref<8x512xf32, #tpu.memory_space<hbm>>
    %dma_start3A_279 = arith.constant 0 : i32
    %dma_start3A_280 = tpu.memref_slice %arg5[%dma_start3A_271, %add3A_269, %dma_start3A_279] : memref<77x1000x512xf32, #tpu.memory_space<hbm>> -> memref<1x8x512xf32, #tpu.memory_space<hbm>>
    %dma_start3A_281 = tpu.memref_squeeze %dma_start3A_280 : memref<1x8x512xf32, #tpu.memory_space<hbm>> -> memref<8x512xf32, #tpu.memory_space<hbm>>
    %dma_start3A_282 = arith.constant 0 : i32
    %dma_start3A_283 = arith.constant 0 : i32
    %dma_start3A_284 = tpu.memref_slice %arg8[%dma_start3A_270, %dma_start3A_282, %dma_start3A_283] : memref<5x8x512xf32, #tpu.memory_space<vmem>> -> memref<1x8x512xf32, #tpu.memory_space<vmem>>
    %dma_start3A_285 = tpu.memref_squeeze %dma_start3A_284 : memref<1x8x512xf32, #tpu.memory_space<vmem>> -> memref<8x512xf32, #tpu.memory_space<vmem>>
    tpu.enqueue_dma source(%dma_start3A_285 : memref<8x512xf32, #tpu.memory_space<vmem>>) target(%dma_start3A_281 : memref<8x512xf32, #tpu.memory_space<hbm>>) target_semaphore(%arg10 : memref<!tpu.dma_semaphore, #tpu.memory_space<semaphore_mem>>)
    %scan3A_286 = arith.constant 0 : i32
    %scan3A_287 = arith.constant 0 : i32
    %scan3A_288 = arith.constant 32 : i32
    %scan3A_289 = arith.addi %scan3A_287, %scan3A_288 : i32
    %scan3A_290 = arith.constant 1 : i32
    scf.for %scan3A_950 = %scan3A_287 to %scan3A_289 step %scan3A_290  : i32 {
      %mul3A_951 = arith.constant 16 : i32
      %mul3A_952 = arith.muli %scan3A_950, %mul3A_951 : i32
      %get3A = arith.constant 1 : i32
      %get3A_953 = arith.index_cast %get3A : i32 to index
      %get3A_954 = arith.index_cast %mul3A_952 : i32 to index
      %get3A_955 = tpu.vector_load %arg7[%get3A_953, %get3A_954] {strides = array<i32>} : memref<5x512xf32, #tpu.memory_space<vmem>>, vector<1x16xf32>,
      %get3A_956 = vector.shape_cast %get3A_955 : vector<1x16xf32> to vector<16xf32>
      %swap3A = arith.constant 1 : i32
      %swap3A_957 = arith.constant 0 : i32
      %swap3A_958 = arith.index_cast %swap3A : i32 to index
      %swap3A_959 = arith.index_cast %swap3A_957 : i32 to index
      %swap3A_960 = arith.index_cast %mul3A_952 : i32 to index
      %swap3A_961 = tpu.vector_load %arg8[%swap3A_958, %swap3A_959, %swap3A_960] {strides = array<i32>} : memref<5x8x512xf32, #tpu.memory_space<vmem>>, vector<1x1x16xf32>,
      %swap3A_962 = vector.shape_cast %swap3A_961 : vector<1x1x16xf32> to vector<16xf32>
      %swap3A_963 = vector.shape_cast %get3A_956 : vector<16xf32> to vector<1x1x16xf32>
      tpu.vector_store %arg8[%swap3A_958, %swap3A_959, %swap3A_960], %swap3A_963 {strides = array<i32>} : memref<5x8x512xf32, #tpu.memory_space<vmem>>, vector<1x1x16xf32>,
      %swap3A_964 = arith.constant 1 : i32
      %swap3A_965 = arith.constant 1 : i32
      %swap3A_966 = arith.index_cast %swap3A_964 : i32 to index
      %swap3A_967 = arith.index_cast %swap3A_965 : i32 to index
      %swap3A_968 = arith.index_cast %mul3A_952 : i32 to index
      %swap3A_969 = tpu.vector_load %arg8[%swap3A_966, %swap3A_967, %swap3A_968] {strides = array<i32>} : memref<5x8x512xf32, #tpu.memory_space<vmem>>, vector<1x1x16xf32>,
      %swap3A_970 = vector.shape_cast %swap3A_969 : vector<1x1x16xf32> to vector<16xf32>
      %swap3A_971 = vector.shape_cast %get3A_956 : vector<16xf32> to vector<1x1x16xf32>
      tpu.vector_store %arg8[%swap3A_966, %swap3A_967, %swap3A_968], %swap3A_971 {strides = array<i32>} : memref<5x8x512xf32, #tpu.memory_space<vmem>>, vector<1x1x16xf32>,
      %swap3A_972 = arith.constant 1 : i32
      %swap3A_973 = arith.constant 2 : i32
      %swap3A_974 = arith.index_cast %swap3A_972 : i32 to index
      %swap3A_975 = arith.index_cast %swap3A_973 : i32 to index
      %swap3A_976 = arith.index_cast %mul3A_952 : i32 to index
      %swap3A_977 = tpu.vector_load %arg8[%swap3A_974, %swap3A_975, %swap3A_976] {strides = array<i32>} : memref<5x8x512xf32, #tpu.memory_space<vmem>>, vector<1x1x16xf32>,
      %swap3A_978 = vector.shape_cast %swap3A_977 : vector<1x1x16xf32> to vector<16xf32>
      %swap3A_979 = vector.shape_cast %get3A_956 : vector<16xf32> to vector<1x1x16xf32>
      tpu.vector_store %arg8[%swap3A_974, %swap3A_975, %swap3A_976], %swap3A_979 {strides = array<i32>} : memref<5x8x512xf32, #tpu.memory_space<vmem>>, vector<1x1x16xf32>,
      %swap3A_980 = arith.constant 1 : i32
      %swap3A_981 = arith.constant 3 : i32
      %swap3A_982 = arith.index_cast %swap3A_980 : i32 to index
      %swap3A_983 = arith.index_cast %swap3A_981 : i32 to index
      %swap3A_984 = arith.index_cast %mul3A_952 : i32 to index
      %swap3A_985 = tpu.vector_load %arg8[%swap3A_982, %swap3A_983, %swap3A_984] {strides = array<i32>} : memref<5x8x512xf32, #tpu.memory_space<vmem>>, vector<1x1x16xf32>,
      %swap3A_986 = vector.shape_cast %swap3A_985 : vector<1x1x16xf32> to vector<16xf32>
      %swap3A_987 = vector.shape_cast %get3A_956 : vector<16xf32> to vector<1x1x16xf32>
      tpu.vector_store %arg8[%swap3A_982, %swap3A_983, %swap3A_984], %swap3A_987 {strides = array<i32>} : memref<5x8x512xf32, #tpu.memory_space<vmem>>, vector<1x1x16xf32>,
      %swap3A_988 = arith.constant 1 : i32
      %swap3A_989 = arith.constant 4 : i32
      %swap3A_990 = arith.index_cast %swap3A_988 : i32 to index
      %swap3A_991 = arith.index_cast %swap3A_989 : i32 to index
      %swap3A_992 = arith.index_cast %mul3A_952 : i32 to index
      %swap3A_993 = tpu.vector_load %arg8[%swap3A_990, %swap3A_991, %swap3A_992] {strides = array<i32>} : memref<5x8x512xf32, #tpu.memory_space<vmem>>, vector<1x1x16xf32>,
      %swap3A_994 = vector.shape_cast %swap3A_993 : vector<1x1x16xf32> to vector<16xf32>
      %swap3A_995 = vector.shape_cast %get3A_956 : vector<16xf32> to vector<1x1x16xf32>
      tpu.vector_store %arg8[%swap3A_990, %swap3A_991, %swap3A_992], %swap3A_995 {strides = array<i32>} : memref<5x8x512xf32, #tpu.memory_space<vmem>>, vector<1x1x16xf32>,
      %swap3A_996 = arith.constant 1 : i32
      %swap3A_997 = arith.constant 5 : i32
      %swap3A_998 = arith.index_cast %swap3A_996 : i32 to index
      %swap3A_999 = arith.index_cast %swap3A_997 : i32 to index
      %swap3A_1000 = arith.index_cast %mul3A_952 : i32 to index
      %swap3A_1001 = tpu.vector_load %arg8[%swap3A_998, %swap3A_999, %swap3A_1000] {strides = array<i32>} : memref<5x8x512xf32, #tpu.memory_space<vmem>>, vector<1x1x16xf32>,
      %swap3A_1002 = vector.shape_cast %swap3A_1001 : vector<1x1x16xf32> to vector<16xf32>
      %swap3A_1003 = vector.shape_cast %get3A_956 : vector<16xf32> to vector<1x1x16xf32>
      tpu.vector_store %arg8[%swap3A_998, %swap3A_999, %swap3A_1000], %swap3A_1003 {strides = array<i32>} : memref<5x8x512xf32, #tpu.memory_space<vmem>>, vector<1x1x16xf32>,
      %swap3A_1004 = arith.constant 1 : i32
      %swap3A_1005 = arith.constant 6 : i32
      %swap3A_1006 = arith.index_cast %swap3A_1004 : i32 to index
      %swap3A_1007 = arith.index_cast %swap3A_1005 : i32 to index
      %swap3A_1008 = arith.index_cast %mul3A_952 : i32 to index
      %swap3A_1009 = tpu.vector_load %arg8[%swap3A_1006, %swap3A_1007, %swap3A_1008] {strides = array<i32>} : memref<5x8x512xf32, #tpu.memory_space<vmem>>, vector<1x1x16xf32>,
      %swap3A_1010 = vector.shape_cast %swap3A_1009 : vector<1x1x16xf32> to vector<16xf32>
      %swap3A_1011 = vector.shape_cast %get3A_956 : vector<16xf32> to vector<1x1x16xf32>
      tpu.vector_store %arg8[%swap3A_1006, %swap3A_1007, %swap3A_1008], %swap3A_1011 {strides = array<i32>} : memref<5x8x512xf32, #tpu.memory_space<vmem>>, vector<1x1x16xf32>,
      %swap3A_1012 = arith.constant 1 : i32
      %swap3A_1013 = arith.constant 7 : i32
      %swap3A_1014 = arith.index_cast %swap3A_1012 : i32 to index
      %swap3A_1015 = arith.index_cast %swap3A_1013 : i32 to index
      %swap3A_1016 = arith.index_cast %mul3A_952 : i32 to index
      %swap3A_1017 = tpu.vector_load %arg8[%swap3A_1014, %swap3A_1015, %swap3A_1016] {strides = array<i32>} : memref<5x8x512xf32, #tpu.memory_space<vmem>>, vector<1x1x16xf32>,
      %swap3A_1018 = vector.shape_cast %swap3A_1017 : vector<1x1x16xf32> to vector<16xf32>
      %swap3A_1019 = vector.shape_cast %get3A_956 : vector<16xf32> to vector<1x1x16xf32>
      tpu.vector_store %arg8[%swap3A_1014, %swap3A_1015, %swap3A_1016], %swap3A_1019 {strides = array<i32>} : memref<5x8x512xf32, #tpu.memory_space<vmem>>, vector<1x1x16xf32>,
    }
    %scan3A_291 = arith.constant 32 : i32
    %add3A_292 = arith.constant 0 : i32
    %add3A_293 = arith.addi %multiple_of3A, %add3A_292 : i32
    %dma_start3A_294 = arith.constant 1 : i32
    %dma_start3A_295 = arith.constant 1 : i32
    %dma_start3A_296 = arith.constant 0 : i32
    %dma_start3A_297 = arith.constant 0 : i32
    %dma_start3A_298 = tpu.memref_slice %arg8[%dma_start3A_294, %dma_start3A_296, %dma_start3A_297] : memref<5x8x512xf32, #tpu.memory_space<vmem>> -> memref<1x8x512xf32, #tpu.memory_space<vmem>>
    %dma_start3A_299 = tpu.memref_squeeze %dma_start3A_298 : memref<1x8x512xf32, #tpu.memory_space<vmem>> -> memref<8x512xf32, #tpu.memory_space<vmem>>
    %dma_start3A_300 = arith.constant 0 : i32
    %dma_start3A_301 = tpu.memref_slice %arg5[%dma_start3A_295, %add3A_293, %dma_start3A_300] : memref<77x1000x512xf32, #tpu.memory_space<hbm>> -> memref<1x8x512xf32, #tpu.memory_space<hbm>>
    %dma_start3A_302 = tpu.memref_squeeze %dma_start3A_301 : memref<1x8x512xf32, #tpu.memory_space<hbm>> -> memref<8x512xf32, #tpu.memory_space<hbm>>
    %dma_start3A_303 = arith.constant 0 : i32
    %dma_start3A_304 = tpu.memref_slice %arg5[%dma_start3A_295, %add3A_293, %dma_start3A_303] : memref<77x1000x512xf32, #tpu.memory_space<hbm>> -> memref<1x8x512xf32, #tpu.memory_space<hbm>>
    %dma_start3A_305 = tpu.memref_squeeze %dma_start3A_304 : memref<1x8x512xf32, #tpu.memory_space<hbm>> -> memref<8x512xf32, #tpu.memory_space<hbm>>
    %dma_start3A_306 = arith.constant 0 : i32
    %dma_start3A_307 = arith.constant 0 : i32
    %dma_start3A_308 = tpu.memref_slice %arg8[%dma_start3A_294, %dma_start3A_306, %dma_start3A_307] : memref<5x8x512xf32, #tpu.memory_space<vmem>> -> memref<1x8x512xf32, #tpu.memory_space<vmem>>
    %dma_start3A_309 = tpu.memref_squeeze %dma_start3A_308 : memref<1x8x512xf32, #tpu.memory_space<vmem>> -> memref<8x512xf32, #tpu.memory_space<vmem>>
    tpu.enqueue_dma source(%dma_start3A_309 : memref<8x512xf32, #tpu.memory_space<vmem>>) target(%dma_start3A_305 : memref<8x512xf32, #tpu.memory_space<hbm>>) target_semaphore(%arg10 : memref<!tpu.dma_semaphore, #tpu.memory_space<semaphore_mem>>)
    %add3A_310 = arith.constant 8 : i32
    %add3A_311 = arith.addi %multiple_of3A, %add3A_310 : i32
    %dma_start3A_312 = arith.constant 1 : i32
    %dma_start3A_313 = arith.constant 1 : i32
    %dma_start3A_314 = arith.constant 0 : i32
    %dma_start3A_315 = arith.constant 0 : i32
    %dma_start3A_316 = tpu.memref_slice %arg8[%dma_start3A_312, %dma_start3A_314, %dma_start3A_315] : memref<5x8x512xf32, #tpu.memory_space<vmem>> -> memref<1x8x512xf32, #tpu.memory_space<vmem>>
    %dma_start3A_317 = tpu.memref_squeeze %dma_start3A_316 : memref<1x8x512xf32, #tpu.memory_space<vmem>> -> memref<8x512xf32, #tpu.memory_space<vmem>>
    %dma_start3A_318 = arith.constant 0 : i32
    %dma_start3A_319 = tpu.memref_slice %arg5[%dma_start3A_313, %add3A_311, %dma_start3A_318] : memref<77x1000x512xf32, #tpu.memory_space<hbm>> -> memref<1x8x512xf32, #tpu.memory_space<hbm>>
    %dma_start3A_320 = tpu.memref_squeeze %dma_start3A_319 : memref<1x8x512xf32, #tpu.memory_space<hbm>> -> memref<8x512xf32, #tpu.memory_space<hbm>>
    %dma_start3A_321 = arith.constant 0 : i32
    %dma_start3A_322 = tpu.memref_slice %arg5[%dma_start3A_313, %add3A_311, %dma_start3A_321] : memref<77x1000x512xf32, #tpu.memory_space<hbm>> -> memref<1x8x512xf32, #tpu.memory_space<hbm>>
    %dma_start3A_323 = tpu.memref_squeeze %dma_start3A_322 : memref<1x8x512xf32, #tpu.memory_space<hbm>> -> memref<8x512xf32, #tpu.memory_space<hbm>>
    %dma_start3A_324 = arith.constant 0 : i32
    %dma_start3A_325 = arith.constant 0 : i32
    %dma_start3A_326 = tpu.memref_slice %arg8[%dma_start3A_312, %dma_start3A_324, %dma_start3A_325] : memref<5x8x512xf32, #tpu.memory_space<vmem>> -> memref<1x8x512xf32, #tpu.memory_space<vmem>>
    %dma_start3A_327 = tpu.memref_squeeze %dma_start3A_326 : memref<1x8x512xf32, #tpu.memory_space<vmem>> -> memref<8x512xf32, #tpu.memory_space<vmem>>
    tpu.enqueue_dma source(%dma_start3A_327 : memref<8x512xf32, #tpu.memory_space<vmem>>) target(%dma_start3A_323 : memref<8x512xf32, #tpu.memory_space<hbm>>) target_semaphore(%arg10 : memref<!tpu.dma_semaphore, #tpu.memory_space<semaphore_mem>>)
    %add3A_328 = arith.constant 16 : i32
    %add3A_329 = arith.addi %multiple_of3A, %add3A_328 : i32
    %dma_start3A_330 = arith.constant 1 : i32
    %dma_start3A_331 = arith.constant 1 : i32
    %dma_start3A_332 = arith.constant 0 : i32
    %dma_start3A_333 = arith.constant 0 : i32
    %dma_start3A_334 = tpu.memref_slice %arg8[%dma_start3A_330, %dma_start3A_332, %dma_start3A_333] : memref<5x8x512xf32, #tpu.memory_space<vmem>> -> memref<1x8x512xf32, #tpu.memory_space<vmem>>
    %dma_start3A_335 = tpu.memref_squeeze %dma_start3A_334 : memref<1x8x512xf32, #tpu.memory_space<vmem>> -> memref<8x512xf32, #tpu.memory_space<vmem>>
    %dma_start3A_336 = arith.constant 0 : i32
    %dma_start3A_337 = tpu.memref_slice %arg5[%dma_start3A_331, %add3A_329, %dma_start3A_336] : memref<77x1000x512xf32, #tpu.memory_space<hbm>> -> memref<1x8x512xf32, #tpu.memory_space<hbm>>
    %dma_start3A_338 = tpu.memref_squeeze %dma_start3A_337 : memref<1x8x512xf32, #tpu.memory_space<hbm>> -> memref<8x512xf32, #tpu.memory_space<hbm>>
    %dma_start3A_339 = arith.constant 0 : i32
    %dma_start3A_340 = tpu.memref_slice %arg5[%dma_start3A_331, %add3A_329, %dma_start3A_339] : memref<77x1000x512xf32, #tpu.memory_space<hbm>> -> memref<1x8x512xf32, #tpu.memory_space<hbm>>
    %dma_start3A_341 = tpu.memref_squeeze %dma_start3A_340 : memref<1x8x512xf32, #tpu.memory_space<hbm>> -> memref<8x512xf32, #tpu.memory_space<hbm>>
    %dma_start3A_342 = arith.constant 0 : i32
    %dma_start3A_343 = arith.constant 0 : i32
    %dma_start3A_344 = tpu.memref_slice %arg8[%dma_start3A_330, %dma_start3A_342, %dma_start3A_343] : memref<5x8x512xf32, #tpu.memory_space<vmem>> -> memref<1x8x512xf32, #tpu.memory_space<vmem>>
    %dma_start3A_345 = tpu.memref_squeeze %dma_start3A_344 : memref<1x8x512xf32, #tpu.memory_space<vmem>> -> memref<8x512xf32, #tpu.memory_space<vmem>>
    tpu.enqueue_dma source(%dma_start3A_345 : memref<8x512xf32, #tpu.memory_space<vmem>>) target(%dma_start3A_341 : memref<8x512xf32, #tpu.memory_space<hbm>>) target_semaphore(%arg10 : memref<!tpu.dma_semaphore, #tpu.memory_space<semaphore_mem>>)
    %add3A_346 = arith.constant 24 : i32
    %add3A_347 = arith.addi %multiple_of3A, %add3A_346 : i32
    %dma_start3A_348 = arith.constant 1 : i32
    %dma_start3A_349 = arith.constant 1 : i32
    %dma_start3A_350 = arith.constant 0 : i32
    %dma_start3A_351 = arith.constant 0 : i32
    %dma_start3A_352 = tpu.memref_slice %arg8[%dma_start3A_348, %dma_start3A_350, %dma_start3A_351] : memref<5x8x512xf32, #tpu.memory_space<vmem>> -> memref<1x8x512xf32, #tpu.memory_space<vmem>>
    %dma_start3A_353 = tpu.memref_squeeze %dma_start3A_352 : memref<1x8x512xf32, #tpu.memory_space<vmem>> -> memref<8x512xf32, #tpu.memory_space<vmem>>
    %dma_start3A_354 = arith.constant 0 : i32
    %dma_start3A_355 = tpu.memref_slice %arg5[%dma_start3A_349, %add3A_347, %dma_start3A_354] : memref<77x1000x512xf32, #tpu.memory_space<hbm>> -> memref<1x8x512xf32, #tpu.memory_space<hbm>>
    %dma_start3A_356 = tpu.memref_squeeze %dma_start3A_355 : memref<1x8x512xf32, #tpu.memory_space<hbm>> -> memref<8x512xf32, #tpu.memory_space<hbm>>
    %dma_start3A_357 = arith.constant 0 : i32
    %dma_start3A_358 = tpu.memref_slice %arg5[%dma_start3A_349, %add3A_347, %dma_start3A_357] : memref<77x1000x512xf32, #tpu.memory_space<hbm>> -> memref<1x8x512xf32, #tpu.memory_space<hbm>>
    %dma_start3A_359 = tpu.memref_squeeze %dma_start3A_358 : memref<1x8x512xf32, #tpu.memory_space<hbm>> -> memref<8x512xf32, #tpu.memory_space<hbm>>
    %dma_start3A_360 = arith.constant 0 : i32
    %dma_start3A_361 = arith.constant 0 : i32
    %dma_start3A_362 = tpu.memref_slice %arg8[%dma_start3A_348, %dma_start3A_360, %dma_start3A_361] : memref<5x8x512xf32, #tpu.memory_space<vmem>> -> memref<1x8x512xf32, #tpu.memory_space<vmem>>
    %dma_start3A_363 = tpu.memref_squeeze %dma_start3A_362 : memref<1x8x512xf32, #tpu.memory_space<vmem>> -> memref<8x512xf32, #tpu.memory_space<vmem>>
    tpu.enqueue_dma source(%dma_start3A_363 : memref<8x512xf32, #tpu.memory_space<vmem>>) target(%dma_start3A_359 : memref<8x512xf32, #tpu.memory_space<hbm>>) target_semaphore(%arg10 : memref<!tpu.dma_semaphore, #tpu.memory_space<semaphore_mem>>)
    %scan3A_364 = arith.constant 0 : i32
    %scan3A_365 = arith.constant 0 : i32
    %scan3A_366 = arith.constant 32 : i32
    %scan3A_367 = arith.addi %scan3A_365, %scan3A_366 : i32
    %scan3A_368 = arith.constant 1 : i32
    scf.for %scan3A_950 = %scan3A_365 to %scan3A_367 step %scan3A_368  : i32 {
      %mul3A_951 = arith.constant 16 : i32
      %mul3A_952 = arith.muli %scan3A_950, %mul3A_951 : i32
      %get3A = arith.constant 2 : i32
      %get3A_953 = arith.index_cast %get3A : i32 to index
      %get3A_954 = arith.index_cast %mul3A_952 : i32 to index
      %get3A_955 = tpu.vector_load %arg7[%get3A_953, %get3A_954] {strides = array<i32>} : memref<5x512xf32, #tpu.memory_space<vmem>>, vector<1x16xf32>,
      %get3A_956 = vector.shape_cast %get3A_955 : vector<1x16xf32> to vector<16xf32>
      %swap3A = arith.constant 2 : i32
      %swap3A_957 = arith.constant 0 : i32
      %swap3A_958 = arith.index_cast %swap3A : i32 to index
      %swap3A_959 = arith.index_cast %swap3A_957 : i32 to index
      %swap3A_960 = arith.index_cast %mul3A_952 : i32 to index
      %swap3A_961 = tpu.vector_load %arg8[%swap3A_958, %swap3A_959, %swap3A_960] {strides = array<i32>} : memref<5x8x512xf32, #tpu.memory_space<vmem>>, vector<1x1x16xf32>,
      %swap3A_962 = vector.shape_cast %swap3A_961 : vector<1x1x16xf32> to vector<16xf32>
      %swap3A_963 = vector.shape_cast %get3A_956 : vector<16xf32> to vector<1x1x16xf32>
      tpu.vector_store %arg8[%swap3A_958, %swap3A_959, %swap3A_960], %swap3A_963 {strides = array<i32>} : memref<5x8x512xf32, #tpu.memory_space<vmem>>, vector<1x1x16xf32>,
      %swap3A_964 = arith.constant 2 : i32
      %swap3A_965 = arith.constant 1 : i32
      %swap3A_966 = arith.index_cast %swap3A_964 : i32 to index
      %swap3A_967 = arith.index_cast %swap3A_965 : i32 to index
      %swap3A_968 = arith.index_cast %mul3A_952 : i32 to index
      %swap3A_969 = tpu.vector_load %arg8[%swap3A_966, %swap3A_967, %swap3A_968] {strides = array<i32>} : memref<5x8x512xf32, #tpu.memory_space<vmem>>, vector<1x1x16xf32>,
      %swap3A_970 = vector.shape_cast %swap3A_969 : vector<1x1x16xf32> to vector<16xf32>
      %swap3A_971 = vector.shape_cast %get3A_956 : vector<16xf32> to vector<1x1x16xf32>
      tpu.vector_store %arg8[%swap3A_966, %swap3A_967, %swap3A_968], %swap3A_971 {strides = array<i32>} : memref<5x8x512xf32, #tpu.memory_space<vmem>>, vector<1x1x16xf32>,
      %swap3A_972 = arith.constant 2 : i32
      %swap3A_973 = arith.constant 2 : i32
      %swap3A_974 = arith.index_cast %swap3A_972 : i32 to index
      %swap3A_975 = arith.index_cast %swap3A_973 : i32 to index
      %swap3A_976 = arith.index_cast %mul3A_952 : i32 to index
      %swap3A_977 = tpu.vector_load %arg8[%swap3A_974, %swap3A_975, %swap3A_976] {strides = array<i32>} : memref<5x8x512xf32, #tpu.memory_space<vmem>>, vector<1x1x16xf32>,
      %swap3A_978 = vector.shape_cast %swap3A_977 : vector<1x1x16xf32> to vector<16xf32>
      %swap3A_979 = vector.shape_cast %get3A_956 : vector<16xf32> to vector<1x1x16xf32>
      tpu.vector_store %arg8[%swap3A_974, %swap3A_975, %swap3A_976], %swap3A_979 {strides = array<i32>} : memref<5x8x512xf32, #tpu.memory_space<vmem>>, vector<1x1x16xf32>,
      %swap3A_980 = arith.constant 2 : i32
      %swap3A_981 = arith.constant 3 : i32
      %swap3A_982 = arith.index_cast %swap3A_980 : i32 to index
      %swap3A_983 = arith.index_cast %swap3A_981 : i32 to index
      %swap3A_984 = arith.index_cast %mul3A_952 : i32 to index
      %swap3A_985 = tpu.vector_load %arg8[%swap3A_982, %swap3A_983, %swap3A_984] {strides = array<i32>} : memref<5x8x512xf32, #tpu.memory_space<vmem>>, vector<1x1x16xf32>,
      %swap3A_986 = vector.shape_cast %swap3A_985 : vector<1x1x16xf32> to vector<16xf32>
      %swap3A_987 = vector.shape_cast %get3A_956 : vector<16xf32> to vector<1x1x16xf32>
      tpu.vector_store %arg8[%swap3A_982, %swap3A_983, %swap3A_984], %swap3A_987 {strides = array<i32>} : memref<5x8x512xf32, #tpu.memory_space<vmem>>, vector<1x1x16xf32>,
      %swap3A_988 = arith.constant 2 : i32
      %swap3A_989 = arith.constant 4 : i32
      %swap3A_990 = arith.index_cast %swap3A_988 : i32 to index
      %swap3A_991 = arith.index_cast %swap3A_989 : i32 to index
      %swap3A_992 = arith.index_cast %mul3A_952 : i32 to index
      %swap3A_993 = tpu.vector_load %arg8[%swap3A_990, %swap3A_991, %swap3A_992] {strides = array<i32>} : memref<5x8x512xf32, #tpu.memory_space<vmem>>, vector<1x1x16xf32>,
      %swap3A_994 = vector.shape_cast %swap3A_993 : vector<1x1x16xf32> to vector<16xf32>
      %swap3A_995 = vector.shape_cast %get3A_956 : vector<16xf32> to vector<1x1x16xf32>
      tpu.vector_store %arg8[%swap3A_990, %swap3A_991, %swap3A_992], %swap3A_995 {strides = array<i32>} : memref<5x8x512xf32, #tpu.memory_space<vmem>>, vector<1x1x16xf32>,
      %swap3A_996 = arith.constant 2 : i32
      %swap3A_997 = arith.constant 5 : i32
      %swap3A_998 = arith.index_cast %swap3A_996 : i32 to index
      %swap3A_999 = arith.index_cast %swap3A_997 : i32 to index
      %swap3A_1000 = arith.index_cast %mul3A_952 : i32 to index
      %swap3A_1001 = tpu.vector_load %arg8[%swap3A_998, %swap3A_999, %swap3A_1000] {strides = array<i32>} : memref<5x8x512xf32, #tpu.memory_space<vmem>>, vector<1x1x16xf32>,
      %swap3A_1002 = vector.shape_cast %swap3A_1001 : vector<1x1x16xf32> to vector<16xf32>
      %swap3A_1003 = vector.shape_cast %get3A_956 : vector<16xf32> to vector<1x1x16xf32>
      tpu.vector_store %arg8[%swap3A_998, %swap3A_999, %swap3A_1000], %swap3A_1003 {strides = array<i32>} : memref<5x8x512xf32, #tpu.memory_space<vmem>>, vector<1x1x16xf32>,
      %swap3A_1004 = arith.constant 2 : i32
      %swap3A_1005 = arith.constant 6 : i32
      %swap3A_1006 = arith.index_cast %swap3A_1004 : i32 to index
      %swap3A_1007 = arith.index_cast %swap3A_1005 : i32 to index
      %swap3A_1008 = arith.index_cast %mul3A_952 : i32 to index
      %swap3A_1009 = tpu.vector_load %arg8[%swap3A_1006, %swap3A_1007, %swap3A_1008] {strides = array<i32>} : memref<5x8x512xf32, #tpu.memory_space<vmem>>, vector<1x1x16xf32>,
      %swap3A_1010 = vector.shape_cast %swap3A_1009 : vector<1x1x16xf32> to vector<16xf32>
      %swap3A_1011 = vector.shape_cast %get3A_956 : vector<16xf32> to vector<1x1x16xf32>
      tpu.vector_store %arg8[%swap3A_1006, %swap3A_1007, %swap3A_1008], %swap3A_1011 {strides = array<i32>} : memref<5x8x512xf32, #tpu.memory_space<vmem>>, vector<1x1x16xf32>,
      %swap3A_1012 = arith.constant 2 : i32
      %swap3A_1013 = arith.constant 7 : i32
      %swap3A_1014 = arith.index_cast %swap3A_1012 : i32 to index
      %swap3A_1015 = arith.index_cast %swap3A_1013 : i32 to index
      %swap3A_1016 = arith.index_cast %mul3A_952 : i32 to index
      %swap3A_1017 = tpu.vector_load %arg8[%swap3A_1014, %swap3A_1015, %swap3A_1016] {strides = array<i32>} : memref<5x8x512xf32, #tpu.memory_space<vmem>>, vector<1x1x16xf32>,
      %swap3A_1018 = vector.shape_cast %swap3A_1017 : vector<1x1x16xf32> to vector<16xf32>
      %swap3A_1019 = vector.shape_cast %get3A_956 : vector<16xf32> to vector<1x1x16xf32>
      tpu.vector_store %arg8[%swap3A_1014, %swap3A_1015, %swap3A_1016], %swap3A_1019 {strides = array<i32>} : memref<5x8x512xf32, #tpu.memory_space<vmem>>, vector<1x1x16xf32>,
    }
    %scan3A_369 = arith.constant 32 : i32
    %add3A_370 = arith.constant 0 : i32
    %add3A_371 = arith.addi %multiple_of3A, %add3A_370 : i32
    %dma_start3A_372 = arith.constant 2 : i32
    %dma_start3A_373 = arith.constant 2 : i32
    %dma_start3A_374 = arith.constant 0 : i32
    %dma_start3A_375 = arith.constant 0 : i32
    %dma_start3A_376 = tpu.memref_slice %arg8[%dma_start3A_372, %dma_start3A_374, %dma_start3A_375] : memref<5x8x512xf32, #tpu.memory_space<vmem>> -> memref<1x8x512xf32, #tpu.memory_space<vmem>>
    %dma_start3A_377 = tpu.memref_squeeze %dma_start3A_376 : memref<1x8x512xf32, #tpu.memory_space<vmem>> -> memref<8x512xf32, #tpu.memory_space<vmem>>
    %dma_start3A_378 = arith.constant 0 : i32
    %dma_start3A_379 = tpu.memref_slice %arg5[%dma_start3A_373, %add3A_371, %dma_start3A_378] : memref<77x1000x512xf32, #tpu.memory_space<hbm>> -> memref<1x8x512xf32, #tpu.memory_space<hbm>>
    %dma_start3A_380 = tpu.memref_squeeze %dma_start3A_379 : memref<1x8x512xf32, #tpu.memory_space<hbm>> -> memref<8x512xf32, #tpu.memory_space<hbm>>
    %dma_start3A_381 = arith.constant 0 : i32
    %dma_start3A_382 = tpu.memref_slice %arg5[%dma_start3A_373, %add3A_371, %dma_start3A_381] : memref<77x1000x512xf32, #tpu.memory_space<hbm>> -> memref<1x8x512xf32, #tpu.memory_space<hbm>>
    %dma_start3A_383 = tpu.memref_squeeze %dma_start3A_382 : memref<1x8x512xf32, #tpu.memory_space<hbm>> -> memref<8x512xf32, #tpu.memory_space<hbm>>
    %dma_start3A_384 = arith.constant 0 : i32
    %dma_start3A_385 = arith.constant 0 : i32
    %dma_start3A_386 = tpu.memref_slice %arg8[%dma_start3A_372, %dma_start3A_384, %dma_start3A_385] : memref<5x8x512xf32, #tpu.memory_space<vmem>> -> memref<1x8x512xf32, #tpu.memory_space<vmem>>
    %dma_start3A_387 = tpu.memref_squeeze %dma_start3A_386 : memref<1x8x512xf32, #tpu.memory_space<vmem>> -> memref<8x512xf32, #tpu.memory_space<vmem>>
    tpu.enqueue_dma source(%dma_start3A_387 : memref<8x512xf32, #tpu.memory_space<vmem>>) target(%dma_start3A_383 : memref<8x512xf32, #tpu.memory_space<hbm>>) target_semaphore(%arg10 : memref<!tpu.dma_semaphore, #tpu.memory_space<semaphore_mem>>)
    %add3A_388 = arith.constant 8 : i32
    %add3A_389 = arith.addi %multiple_of3A, %add3A_388 : i32
    %dma_start3A_390 = arith.constant 2 : i32
    %dma_start3A_391 = arith.constant 2 : i32
    %dma_start3A_392 = arith.constant 0 : i32
    %dma_start3A_393 = arith.constant 0 : i32
    %dma_start3A_394 = tpu.memref_slice %arg8[%dma_start3A_390, %dma_start3A_392, %dma_start3A_393] : memref<5x8x512xf32, #tpu.memory_space<vmem>> -> memref<1x8x512xf32, #tpu.memory_space<vmem>>
    %dma_start3A_395 = tpu.memref_squeeze %dma_start3A_394 : memref<1x8x512xf32, #tpu.memory_space<vmem>> -> memref<8x512xf32, #tpu.memory_space<vmem>>
    %dma_start3A_396 = arith.constant 0 : i32
    %dma_start3A_397 = tpu.memref_slice %arg5[%dma_start3A_391, %add3A_389, %dma_start3A_396] : memref<77x1000x512xf32, #tpu.memory_space<hbm>> -> memref<1x8x512xf32, #tpu.memory_space<hbm>>
    %dma_start3A_398 = tpu.memref_squeeze %dma_start3A_397 : memref<1x8x512xf32, #tpu.memory_space<hbm>> -> memref<8x512xf32, #tpu.memory_space<hbm>>
    %dma_start3A_399 = arith.constant 0 : i32
    %dma_start3A_400 = tpu.memref_slice %arg5[%dma_start3A_391, %add3A_389, %dma_start3A_399] : memref<77x1000x512xf32, #tpu.memory_space<hbm>> -> memref<1x8x512xf32, #tpu.memory_space<hbm>>
    %dma_start3A_401 = tpu.memref_squeeze %dma_start3A_400 : memref<1x8x512xf32, #tpu.memory_space<hbm>> -> memref<8x512xf32, #tpu.memory_space<hbm>>
    %dma_start3A_402 = arith.constant 0 : i32
    %dma_start3A_403 = arith.constant 0 : i32
    %dma_start3A_404 = tpu.memref_slice %arg8[%dma_start3A_390, %dma_start3A_402, %dma_start3A_403] : memref<5x8x512xf32, #tpu.memory_space<vmem>> -> memref<1x8x512xf32, #tpu.memory_space<vmem>>
    %dma_start3A_405 = tpu.memref_squeeze %dma_start3A_404 : memref<1x8x512xf32, #tpu.memory_space<vmem>> -> memref<8x512xf32, #tpu.memory_space<vmem>>
    tpu.enqueue_dma source(%dma_start3A_405 : memref<8x512xf32, #tpu.memory_space<vmem>>) target(%dma_start3A_401 : memref<8x512xf32, #tpu.memory_space<hbm>>) target_semaphore(%arg10 : memref<!tpu.dma_semaphore, #tpu.memory_space<semaphore_mem>>)
    %add3A_406 = arith.constant 16 : i32
    %add3A_407 = arith.addi %multiple_of3A, %add3A_406 : i32
    %dma_start3A_408 = arith.constant 2 : i32
    %dma_start3A_409 = arith.constant 2 : i32
    %dma_start3A_410 = arith.constant 0 : i32
    %dma_start3A_411 = arith.constant 0 : i32
    %dma_start3A_412 = tpu.memref_slice %arg8[%dma_start3A_408, %dma_start3A_410, %dma_start3A_411] : memref<5x8x512xf32, #tpu.memory_space<vmem>> -> memref<1x8x512xf32, #tpu.memory_space<vmem>>
    %dma_start3A_413 = tpu.memref_squeeze %dma_start3A_412 : memref<1x8x512xf32, #tpu.memory_space<vmem>> -> memref<8x512xf32, #tpu.memory_space<vmem>>
    %dma_start3A_414 = arith.constant 0 : i32
    %dma_start3A_415 = tpu.memref_slice %arg5[%dma_start3A_409, %add3A_407, %dma_start3A_414] : memref<77x1000x512xf32, #tpu.memory_space<hbm>> -> memref<1x8x512xf32, #tpu.memory_space<hbm>>
    %dma_start3A_416 = tpu.memref_squeeze %dma_start3A_415 : memref<1x8x512xf32, #tpu.memory_space<hbm>> -> memref<8x512xf32, #tpu.memory_space<hbm>>
    %dma_start3A_417 = arith.constant 0 : i32
    %dma_start3A_418 = tpu.memref_slice %arg5[%dma_start3A_409, %add3A_407, %dma_start3A_417] : memref<77x1000x512xf32, #tpu.memory_space<hbm>> -> memref<1x8x512xf32, #tpu.memory_space<hbm>>
    %dma_start3A_419 = tpu.memref_squeeze %dma_start3A_418 : memref<1x8x512xf32, #tpu.memory_space<hbm>> -> memref<8x512xf32, #tpu.memory_space<hbm>>
    %dma_start3A_420 = arith.constant 0 : i32
    %dma_start3A_421 = arith.constant 0 : i32
    %dma_start3A_422 = tpu.memref_slice %arg8[%dma_start3A_408, %dma_start3A_420, %dma_start3A_421] : memref<5x8x512xf32, #tpu.memory_space<vmem>> -> memref<1x8x512xf32, #tpu.memory_space<vmem>>
    %dma_start3A_423 = tpu.memref_squeeze %dma_start3A_422 : memref<1x8x512xf32, #tpu.memory_space<vmem>> -> memref<8x512xf32, #tpu.memory_space<vmem>>
    tpu.enqueue_dma source(%dma_start3A_423 : memref<8x512xf32, #tpu.memory_space<vmem>>) target(%dma_start3A_419 : memref<8x512xf32, #tpu.memory_space<hbm>>) target_semaphore(%arg10 : memref<!tpu.dma_semaphore, #tpu.memory_space<semaphore_mem>>)
    %add3A_424 = arith.constant 24 : i32
    %add3A_425 = arith.addi %multiple_of3A, %add3A_424 : i32
    %dma_start3A_426 = arith.constant 2 : i32
    %dma_start3A_427 = arith.constant 2 : i32
    %dma_start3A_428 = arith.constant 0 : i32
    %dma_start3A_429 = arith.constant 0 : i32
    %dma_start3A_430 = tpu.memref_slice %arg8[%dma_start3A_426, %dma_start3A_428, %dma_start3A_429] : memref<5x8x512xf32, #tpu.memory_space<vmem>> -> memref<1x8x512xf32, #tpu.memory_space<vmem>>
    %dma_start3A_431 = tpu.memref_squeeze %dma_start3A_430 : memref<1x8x512xf32, #tpu.memory_space<vmem>> -> memref<8x512xf32, #tpu.memory_space<vmem>>
    %dma_start3A_432 = arith.constant 0 : i32
    %dma_start3A_433 = tpu.memref_slice %arg5[%dma_start3A_427, %add3A_425, %dma_start3A_432] : memref<77x1000x512xf32, #tpu.memory_space<hbm>> -> memref<1x8x512xf32, #tpu.memory_space<hbm>>
    %dma_start3A_434 = tpu.memref_squeeze %dma_start3A_433 : memref<1x8x512xf32, #tpu.memory_space<hbm>> -> memref<8x512xf32, #tpu.memory_space<hbm>>
    %dma_start3A_435 = arith.constant 0 : i32
    %dma_start3A_436 = tpu.memref_slice %arg5[%dma_start3A_427, %add3A_425, %dma_start3A_435] : memref<77x1000x512xf32, #tpu.memory_space<hbm>> -> memref<1x8x512xf32, #tpu.memory_space<hbm>>
    %dma_start3A_437 = tpu.memref_squeeze %dma_start3A_436 : memref<1x8x512xf32, #tpu.memory_space<hbm>> -> memref<8x512xf32, #tpu.memory_space<hbm>>
    %dma_start3A_438 = arith.constant 0 : i32
    %dma_start3A_439 = arith.constant 0 : i32
    %dma_start3A_440 = tpu.memref_slice %arg8[%dma_start3A_426, %dma_start3A_438, %dma_start3A_439] : memref<5x8x512xf32, #tpu.memory_space<vmem>> -> memref<1x8x512xf32, #tpu.memory_space<vmem>>
    %dma_start3A_441 = tpu.memref_squeeze %dma_start3A_440 : memref<1x8x512xf32, #tpu.memory_space<vmem>> -> memref<8x512xf32, #tpu.memory_space<vmem>>
    tpu.enqueue_dma source(%dma_start3A_441 : memref<8x512xf32, #tpu.memory_space<vmem>>) target(%dma_start3A_437 : memref<8x512xf32, #tpu.memory_space<hbm>>) target_semaphore(%arg10 : memref<!tpu.dma_semaphore, #tpu.memory_space<semaphore_mem>>)
    %scan3A_442 = arith.constant 0 : i32
    %scan3A_443 = arith.constant 0 : i32
    %scan3A_444 = arith.constant 32 : i32
    %scan3A_445 = arith.addi %scan3A_443, %scan3A_444 : i32
    %scan3A_446 = arith.constant 1 : i32
    scf.for %scan3A_950 = %scan3A_443 to %scan3A_445 step %scan3A_446  : i32 {
      %mul3A_951 = arith.constant 16 : i32
      %mul3A_952 = arith.muli %scan3A_950, %mul3A_951 : i32
      %get3A = arith.constant 3 : i32
      %get3A_953 = arith.index_cast %get3A : i32 to index
      %get3A_954 = arith.index_cast %mul3A_952 : i32 to index
      %get3A_955 = tpu.vector_load %arg7[%get3A_953, %get3A_954] {strides = array<i32>} : memref<5x512xf32, #tpu.memory_space<vmem>>, vector<1x16xf32>,
      %get3A_956 = vector.shape_cast %get3A_955 : vector<1x16xf32> to vector<16xf32>
      %swap3A = arith.constant 3 : i32
      %swap3A_957 = arith.constant 0 : i32
      %swap3A_958 = arith.index_cast %swap3A : i32 to index
      %swap3A_959 = arith.index_cast %swap3A_957 : i32 to index
      %swap3A_960 = arith.index_cast %mul3A_952 : i32 to index
      %swap3A_961 = tpu.vector_load %arg8[%swap3A_958, %swap3A_959, %swap3A_960] {strides = array<i32>} : memref<5x8x512xf32, #tpu.memory_space<vmem>>, vector<1x1x16xf32>,
      %swap3A_962 = vector.shape_cast %swap3A_961 : vector<1x1x16xf32> to vector<16xf32>
      %swap3A_963 = vector.shape_cast %get3A_956 : vector<16xf32> to vector<1x1x16xf32>
      tpu.vector_store %arg8[%swap3A_958, %swap3A_959, %swap3A_960], %swap3A_963 {strides = array<i32>} : memref<5x8x512xf32, #tpu.memory_space<vmem>>, vector<1x1x16xf32>,
      %swap3A_964 = arith.constant 3 : i32
      %swap3A_965 = arith.constant 1 : i32
      %swap3A_966 = arith.index_cast %swap3A_964 : i32 to index
      %swap3A_967 = arith.index_cast %swap3A_965 : i32 to index
      %swap3A_968 = arith.index_cast %mul3A_952 : i32 to index
      %swap3A_969 = tpu.vector_load %arg8[%swap3A_966, %swap3A_967, %swap3A_968] {strides = array<i32>} : memref<5x8x512xf32, #tpu.memory_space<vmem>>, vector<1x1x16xf32>,
      %swap3A_970 = vector.shape_cast %swap3A_969 : vector<1x1x16xf32> to vector<16xf32>
      %swap3A_971 = vector.shape_cast %get3A_956 : vector<16xf32> to vector<1x1x16xf32>
      tpu.vector_store %arg8[%swap3A_966, %swap3A_967, %swap3A_968], %swap3A_971 {strides = array<i32>} : memref<5x8x512xf32, #tpu.memory_space<vmem>>, vector<1x1x16xf32>,
      %swap3A_972 = arith.constant 3 : i32
      %swap3A_973 = arith.constant 2 : i32
      %swap3A_974 = arith.index_cast %swap3A_972 : i32 to index
      %swap3A_975 = arith.index_cast %swap3A_973 : i32 to index
      %swap3A_976 = arith.index_cast %mul3A_952 : i32 to index
      %swap3A_977 = tpu.vector_load %arg8[%swap3A_974, %swap3A_975, %swap3A_976] {strides = array<i32>} : memref<5x8x512xf32, #tpu.memory_space<vmem>>, vector<1x1x16xf32>,
      %swap3A_978 = vector.shape_cast %swap3A_977 : vector<1x1x16xf32> to vector<16xf32>
      %swap3A_979 = vector.shape_cast %get3A_956 : vector<16xf32> to vector<1x1x16xf32>
      tpu.vector_store %arg8[%swap3A_974, %swap3A_975, %swap3A_976], %swap3A_979 {strides = array<i32>} : memref<5x8x512xf32, #tpu.memory_space<vmem>>, vector<1x1x16xf32>,
      %swap3A_980 = arith.constant 3 : i32
      %swap3A_981 = arith.constant 3 : i32
      %swap3A_982 = arith.index_cast %swap3A_980 : i32 to index
      %swap3A_983 = arith.index_cast %swap3A_981 : i32 to index
      %swap3A_984 = arith.index_cast %mul3A_952 : i32 to index
      %swap3A_985 = tpu.vector_load %arg8[%swap3A_982, %swap3A_983, %swap3A_984] {strides = array<i32>} : memref<5x8x512xf32, #tpu.memory_space<vmem>>, vector<1x1x16xf32>,
      %swap3A_986 = vector.shape_cast %swap3A_985 : vector<1x1x16xf32> to vector<16xf32>
      %swap3A_987 = vector.shape_cast %get3A_956 : vector<16xf32> to vector<1x1x16xf32>
      tpu.vector_store %arg8[%swap3A_982, %swap3A_983, %swap3A_984], %swap3A_987 {strides = array<i32>} : memref<5x8x512xf32, #tpu.memory_space<vmem>>, vector<1x1x16xf32>,
      %swap3A_988 = arith.constant 3 : i32
      %swap3A_989 = arith.constant 4 : i32
      %swap3A_990 = arith.index_cast %swap3A_988 : i32 to index
      %swap3A_991 = arith.index_cast %swap3A_989 : i32 to index
      %swap3A_992 = arith.index_cast %mul3A_952 : i32 to index
      %swap3A_993 = tpu.vector_load %arg8[%swap3A_990, %swap3A_991, %swap3A_992] {strides = array<i32>} : memref<5x8x512xf32, #tpu.memory_space<vmem>>, vector<1x1x16xf32>,
      %swap3A_994 = vector.shape_cast %swap3A_993 : vector<1x1x16xf32> to vector<16xf32>
      %swap3A_995 = vector.shape_cast %get3A_956 : vector<16xf32> to vector<1x1x16xf32>
      tpu.vector_store %arg8[%swap3A_990, %swap3A_991, %swap3A_992], %swap3A_995 {strides = array<i32>} : memref<5x8x512xf32, #tpu.memory_space<vmem>>, vector<1x1x16xf32>,
      %swap3A_996 = arith.constant 3 : i32
      %swap3A_997 = arith.constant 5 : i32
      %swap3A_998 = arith.index_cast %swap3A_996 : i32 to index
      %swap3A_999 = arith.index_cast %swap3A_997 : i32 to index
      %swap3A_1000 = arith.index_cast %mul3A_952 : i32 to index
      %swap3A_1001 = tpu.vector_load %arg8[%swap3A_998, %swap3A_999, %swap3A_1000] {strides = array<i32>} : memref<5x8x512xf32, #tpu.memory_space<vmem>>, vector<1x1x16xf32>,
      %swap3A_1002 = vector.shape_cast %swap3A_1001 : vector<1x1x16xf32> to vector<16xf32>
      %swap3A_1003 = vector.shape_cast %get3A_956 : vector<16xf32> to vector<1x1x16xf32>
      tpu.vector_store %arg8[%swap3A_998, %swap3A_999, %swap3A_1000], %swap3A_1003 {strides = array<i32>} : memref<5x8x512xf32, #tpu.memory_space<vmem>>, vector<1x1x16xf32>,
      %swap3A_1004 = arith.constant 3 : i32
      %swap3A_1005 = arith.constant 6 : i32
      %swap3A_1006 = arith.index_cast %swap3A_1004 : i32 to index
      %swap3A_1007 = arith.index_cast %swap3A_1005 : i32 to index
      %swap3A_1008 = arith.index_cast %mul3A_952 : i32 to index
      %swap3A_1009 = tpu.vector_load %arg8[%swap3A_1006, %swap3A_1007, %swap3A_1008] {strides = array<i32>} : memref<5x8x512xf32, #tpu.memory_space<vmem>>, vector<1x1x16xf32>,
      %swap3A_1010 = vector.shape_cast %swap3A_1009 : vector<1x1x16xf32> to vector<16xf32>
      %swap3A_1011 = vector.shape_cast %get3A_956 : vector<16xf32> to vector<1x1x16xf32>
      tpu.vector_store %arg8[%swap3A_1006, %swap3A_1007, %swap3A_1008], %swap3A_1011 {strides = array<i32>} : memref<5x8x512xf32, #tpu.memory_space<vmem>>, vector<1x1x16xf32>,
      %swap3A_1012 = arith.constant 3 : i32
      %swap3A_1013 = arith.constant 7 : i32
      %swap3A_1014 = arith.index_cast %swap3A_1012 : i32 to index
      %swap3A_1015 = arith.index_cast %swap3A_1013 : i32 to index
      %swap3A_1016 = arith.index_cast %mul3A_952 : i32 to index
      %swap3A_1017 = tpu.vector_load %arg8[%swap3A_1014, %swap3A_1015, %swap3A_1016] {strides = array<i32>} : memref<5x8x512xf32, #tpu.memory_space<vmem>>, vector<1x1x16xf32>,
      %swap3A_1018 = vector.shape_cast %swap3A_1017 : vector<1x1x16xf32> to vector<16xf32>
      %swap3A_1019 = vector.shape_cast %get3A_956 : vector<16xf32> to vector<1x1x16xf32>
      tpu.vector_store %arg8[%swap3A_1014, %swap3A_1015, %swap3A_1016], %swap3A_1019 {strides = array<i32>} : memref<5x8x512xf32, #tpu.memory_space<vmem>>, vector<1x1x16xf32>,
    }
    %scan3A_447 = arith.constant 32 : i32
    %add3A_448 = arith.constant 0 : i32
    %add3A_449 = arith.addi %multiple_of3A, %add3A_448 : i32
    %dma_start3A_450 = arith.constant 3 : i32
    %dma_start3A_451 = arith.constant 3 : i32
    %dma_start3A_452 = arith.constant 0 : i32
    %dma_start3A_453 = arith.constant 0 : i32
    %dma_start3A_454 = tpu.memref_slice %arg8[%dma_start3A_450, %dma_start3A_452, %dma_start3A_453] : memref<5x8x512xf32, #tpu.memory_space<vmem>> -> memref<1x8x512xf32, #tpu.memory_space<vmem>>
    %dma_start3A_455 = tpu.memref_squeeze %dma_start3A_454 : memref<1x8x512xf32, #tpu.memory_space<vmem>> -> memref<8x512xf32, #tpu.memory_space<vmem>>
    %dma_start3A_456 = arith.constant 0 : i32
    %dma_start3A_457 = tpu.memref_slice %arg5[%dma_start3A_451, %add3A_449, %dma_start3A_456] : memref<77x1000x512xf32, #tpu.memory_space<hbm>> -> memref<1x8x512xf32, #tpu.memory_space<hbm>>
    %dma_start3A_458 = tpu.memref_squeeze %dma_start3A_457 : memref<1x8x512xf32, #tpu.memory_space<hbm>> -> memref<8x512xf32, #tpu.memory_space<hbm>>
    %dma_start3A_459 = arith.constant 0 : i32
    %dma_start3A_460 = tpu.memref_slice %arg5[%dma_start3A_451, %add3A_449, %dma_start3A_459] : memref<77x1000x512xf32, #tpu.memory_space<hbm>> -> memref<1x8x512xf32, #tpu.memory_space<hbm>>
    %dma_start3A_461 = tpu.memref_squeeze %dma_start3A_460 : memref<1x8x512xf32, #tpu.memory_space<hbm>> -> memref<8x512xf32, #tpu.memory_space<hbm>>
    %dma_start3A_462 = arith.constant 0 : i32
    %dma_start3A_463 = arith.constant 0 : i32
    %dma_start3A_464 = tpu.memref_slice %arg8[%dma_start3A_450, %dma_start3A_462, %dma_start3A_463] : memref<5x8x512xf32, #tpu.memory_space<vmem>> -> memref<1x8x512xf32, #tpu.memory_space<vmem>>
    %dma_start3A_465 = tpu.memref_squeeze %dma_start3A_464 : memref<1x8x512xf32, #tpu.memory_space<vmem>> -> memref<8x512xf32, #tpu.memory_space<vmem>>
    tpu.enqueue_dma source(%dma_start3A_465 : memref<8x512xf32, #tpu.memory_space<vmem>>) target(%dma_start3A_461 : memref<8x512xf32, #tpu.memory_space<hbm>>) target_semaphore(%arg10 : memref<!tpu.dma_semaphore, #tpu.memory_space<semaphore_mem>>)
    %add3A_466 = arith.constant 8 : i32
    %add3A_467 = arith.addi %multiple_of3A, %add3A_466 : i32
    %dma_start3A_468 = arith.constant 3 : i32
    %dma_start3A_469 = arith.constant 3 : i32
    %dma_start3A_470 = arith.constant 0 : i32
    %dma_start3A_471 = arith.constant 0 : i32
    %dma_start3A_472 = tpu.memref_slice %arg8[%dma_start3A_468, %dma_start3A_470, %dma_start3A_471] : memref<5x8x512xf32, #tpu.memory_space<vmem>> -> memref<1x8x512xf32, #tpu.memory_space<vmem>>
    %dma_start3A_473 = tpu.memref_squeeze %dma_start3A_472 : memref<1x8x512xf32, #tpu.memory_space<vmem>> -> memref<8x512xf32, #tpu.memory_space<vmem>>
    %dma_start3A_474 = arith.constant 0 : i32
    %dma_start3A_475 = tpu.memref_slice %arg5[%dma_start3A_469, %add3A_467, %dma_start3A_474] : memref<77x1000x512xf32, #tpu.memory_space<hbm>> -> memref<1x8x512xf32, #tpu.memory_space<hbm>>
    %dma_start3A_476 = tpu.memref_squeeze %dma_start3A_475 : memref<1x8x512xf32, #tpu.memory_space<hbm>> -> memref<8x512xf32, #tpu.memory_space<hbm>>
    %dma_start3A_477 = arith.constant 0 : i32
    %dma_start3A_478 = tpu.memref_slice %arg5[%dma_start3A_469, %add3A_467, %dma_start3A_477] : memref<77x1000x512xf32, #tpu.memory_space<hbm>> -> memref<1x8x512xf32, #tpu.memory_space<hbm>>
    %dma_start3A_479 = tpu.memref_squeeze %dma_start3A_478 : memref<1x8x512xf32, #tpu.memory_space<hbm>> -> memref<8x512xf32, #tpu.memory_space<hbm>>
    %dma_start3A_480 = arith.constant 0 : i32
    %dma_start3A_481 = arith.constant 0 : i32
    %dma_start3A_482 = tpu.memref_slice %arg8[%dma_start3A_468, %dma_start3A_480, %dma_start3A_481] : memref<5x8x512xf32, #tpu.memory_space<vmem>> -> memref<1x8x512xf32, #tpu.memory_space<vmem>>
    %dma_start3A_483 = tpu.memref_squeeze %dma_start3A_482 : memref<1x8x512xf32, #tpu.memory_space<vmem>> -> memref<8x512xf32, #tpu.memory_space<vmem>>
    tpu.enqueue_dma source(%dma_start3A_483 : memref<8x512xf32, #tpu.memory_space<vmem>>) target(%dma_start3A_479 : memref<8x512xf32, #tpu.memory_space<hbm>>) target_semaphore(%arg10 : memref<!tpu.dma_semaphore, #tpu.memory_space<semaphore_mem>>)
    %add3A_484 = arith.constant 16 : i32
    %add3A_485 = arith.addi %multiple_of3A, %add3A_484 : i32
    %dma_start3A_486 = arith.constant 3 : i32
    %dma_start3A_487 = arith.constant 3 : i32
    %dma_start3A_488 = arith.constant 0 : i32
    %dma_start3A_489 = arith.constant 0 : i32
    %dma_start3A_490 = tpu.memref_slice %arg8[%dma_start3A_486, %dma_start3A_488, %dma_start3A_489] : memref<5x8x512xf32, #tpu.memory_space<vmem>> -> memref<1x8x512xf32, #tpu.memory_space<vmem>>
    %dma_start3A_491 = tpu.memref_squeeze %dma_start3A_490 : memref<1x8x512xf32, #tpu.memory_space<vmem>> -> memref<8x512xf32, #tpu.memory_space<vmem>>
    %dma_start3A_492 = arith.constant 0 : i32
    %dma_start3A_493 = tpu.memref_slice %arg5[%dma_start3A_487, %add3A_485, %dma_start3A_492] : memref<77x1000x512xf32, #tpu.memory_space<hbm>> -> memref<1x8x512xf32, #tpu.memory_space<hbm>>
    %dma_start3A_494 = tpu.memref_squeeze %dma_start3A_493 : memref<1x8x512xf32, #tpu.memory_space<hbm>> -> memref<8x512xf32, #tpu.memory_space<hbm>>
    %dma_start3A_495 = arith.constant 0 : i32
    %dma_start3A_496 = tpu.memref_slice %arg5[%dma_start3A_487, %add3A_485, %dma_start3A_495] : memref<77x1000x512xf32, #tpu.memory_space<hbm>> -> memref<1x8x512xf32, #tpu.memory_space<hbm>>
    %dma_start3A_497 = tpu.memref_squeeze %dma_start3A_496 : memref<1x8x512xf32, #tpu.memory_space<hbm>> -> memref<8x512xf32, #tpu.memory_space<hbm>>
    %dma_start3A_498 = arith.constant 0 : i32
    %dma_start3A_499 = arith.constant 0 : i32
    %dma_start3A_500 = tpu.memref_slice %arg8[%dma_start3A_486, %dma_start3A_498, %dma_start3A_499] : memref<5x8x512xf32, #tpu.memory_space<vmem>> -> memref<1x8x512xf32, #tpu.memory_space<vmem>>
    %dma_start3A_501 = tpu.memref_squeeze %dma_start3A_500 : memref<1x8x512xf32, #tpu.memory_space<vmem>> -> memref<8x512xf32, #tpu.memory_space<vmem>>
    tpu.enqueue_dma source(%dma_start3A_501 : memref<8x512xf32, #tpu.memory_space<vmem>>) target(%dma_start3A_497 : memref<8x512xf32, #tpu.memory_space<hbm>>) target_semaphore(%arg10 : memref<!tpu.dma_semaphore, #tpu.memory_space<semaphore_mem>>)
    %add3A_502 = arith.constant 24 : i32
    %add3A_503 = arith.addi %multiple_of3A, %add3A_502 : i32
    %dma_start3A_504 = arith.constant 3 : i32
    %dma_start3A_505 = arith.constant 3 : i32
    %dma_start3A_506 = arith.constant 0 : i32
    %dma_start3A_507 = arith.constant 0 : i32
    %dma_start3A_508 = tpu.memref_slice %arg8[%dma_start3A_504, %dma_start3A_506, %dma_start3A_507] : memref<5x8x512xf32, #tpu.memory_space<vmem>> -> memref<1x8x512xf32, #tpu.memory_space<vmem>>
    %dma_start3A_509 = tpu.memref_squeeze %dma_start3A_508 : memref<1x8x512xf32, #tpu.memory_space<vmem>> -> memref<8x512xf32, #tpu.memory_space<vmem>>
    %dma_start3A_510 = arith.constant 0 : i32
    %dma_start3A_511 = tpu.memref_slice %arg5[%dma_start3A_505, %add3A_503, %dma_start3A_510] : memref<77x1000x512xf32, #tpu.memory_space<hbm>> -> memref<1x8x512xf32, #tpu.memory_space<hbm>>
    %dma_start3A_512 = tpu.memref_squeeze %dma_start3A_511 : memref<1x8x512xf32, #tpu.memory_space<hbm>> -> memref<8x512xf32, #tpu.memory_space<hbm>>
    %dma_start3A_513 = arith.constant 0 : i32
    %dma_start3A_514 = tpu.memref_slice %arg5[%dma_start3A_505, %add3A_503, %dma_start3A_513] : memref<77x1000x512xf32, #tpu.memory_space<hbm>> -> memref<1x8x512xf32, #tpu.memory_space<hbm>>
    %dma_start3A_515 = tpu.memref_squeeze %dma_start3A_514 : memref<1x8x512xf32, #tpu.memory_space<hbm>> -> memref<8x512xf32, #tpu.memory_space<hbm>>
    %dma_start3A_516 = arith.constant 0 : i32
    %dma_start3A_517 = arith.constant 0 : i32
    %dma_start3A_518 = tpu.memref_slice %arg8[%dma_start3A_504, %dma_start3A_516, %dma_start3A_517] : memref<5x8x512xf32, #tpu.memory_space<vmem>> -> memref<1x8x512xf32, #tpu.memory_space<vmem>>
    %dma_start3A_519 = tpu.memref_squeeze %dma_start3A_518 : memref<1x8x512xf32, #tpu.memory_space<vmem>> -> memref<8x512xf32, #tpu.memory_space<vmem>>
    tpu.enqueue_dma source(%dma_start3A_519 : memref<8x512xf32, #tpu.memory_space<vmem>>) target(%dma_start3A_515 : memref<8x512xf32, #tpu.memory_space<hbm>>) target_semaphore(%arg10 : memref<!tpu.dma_semaphore, #tpu.memory_space<semaphore_mem>>)
    %scan3A_520 = arith.constant 0 : i32
    %scan3A_521 = arith.constant 0 : i32
    %scan3A_522 = arith.constant 32 : i32
    %scan3A_523 = arith.addi %scan3A_521, %scan3A_522 : i32
    %scan3A_524 = arith.constant 1 : i32
    scf.for %scan3A_950 = %scan3A_521 to %scan3A_523 step %scan3A_524  : i32 {
      %mul3A_951 = arith.constant 16 : i32
      %mul3A_952 = arith.muli %scan3A_950, %mul3A_951 : i32
      %get3A = arith.constant 4 : i32
      %get3A_953 = arith.index_cast %get3A : i32 to index
      %get3A_954 = arith.index_cast %mul3A_952 : i32 to index
      %get3A_955 = tpu.vector_load %arg7[%get3A_953, %get3A_954] {strides = array<i32>} : memref<5x512xf32, #tpu.memory_space<vmem>>, vector<1x16xf32>,
      %get3A_956 = vector.shape_cast %get3A_955 : vector<1x16xf32> to vector<16xf32>
      %swap3A = arith.constant 4 : i32
      %swap3A_957 = arith.constant 0 : i32
      %swap3A_958 = arith.index_cast %swap3A : i32 to index
      %swap3A_959 = arith.index_cast %swap3A_957 : i32 to index
      %swap3A_960 = arith.index_cast %mul3A_952 : i32 to index
      %swap3A_961 = tpu.vector_load %arg8[%swap3A_958, %swap3A_959, %swap3A_960] {strides = array<i32>} : memref<5x8x512xf32, #tpu.memory_space<vmem>>, vector<1x1x16xf32>,
      %swap3A_962 = vector.shape_cast %swap3A_961 : vector<1x1x16xf32> to vector<16xf32>
      %swap3A_963 = vector.shape_cast %get3A_956 : vector<16xf32> to vector<1x1x16xf32>
      tpu.vector_store %arg8[%swap3A_958, %swap3A_959, %swap3A_960], %swap3A_963 {strides = array<i32>} : memref<5x8x512xf32, #tpu.memory_space<vmem>>, vector<1x1x16xf32>,
      %swap3A_964 = arith.constant 4 : i32
      %swap3A_965 = arith.constant 1 : i32
      %swap3A_966 = arith.index_cast %swap3A_964 : i32 to index
      %swap3A_967 = arith.index_cast %swap3A_965 : i32 to index
      %swap3A_968 = arith.index_cast %mul3A_952 : i32 to index
      %swap3A_969 = tpu.vector_load %arg8[%swap3A_966, %swap3A_967, %swap3A_968] {strides = array<i32>} : memref<5x8x512xf32, #tpu.memory_space<vmem>>, vector<1x1x16xf32>,
      %swap3A_970 = vector.shape_cast %swap3A_969 : vector<1x1x16xf32> to vector<16xf32>
      %swap3A_971 = vector.shape_cast %get3A_956 : vector<16xf32> to vector<1x1x16xf32>
      tpu.vector_store %arg8[%swap3A_966, %swap3A_967, %swap3A_968], %swap3A_971 {strides = array<i32>} : memref<5x8x512xf32, #tpu.memory_space<vmem>>, vector<1x1x16xf32>,
      %swap3A_972 = arith.constant 4 : i32
      %swap3A_973 = arith.constant 2 : i32
      %swap3A_974 = arith.index_cast %swap3A_972 : i32 to index
      %swap3A_975 = arith.index_cast %swap3A_973 : i32 to index
      %swap3A_976 = arith.index_cast %mul3A_952 : i32 to index
      %swap3A_977 = tpu.vector_load %arg8[%swap3A_974, %swap3A_975, %swap3A_976] {strides = array<i32>} : memref<5x8x512xf32, #tpu.memory_space<vmem>>, vector<1x1x16xf32>,
      %swap3A_978 = vector.shape_cast %swap3A_977 : vector<1x1x16xf32> to vector<16xf32>
      %swap3A_979 = vector.shape_cast %get3A_956 : vector<16xf32> to vector<1x1x16xf32>
      tpu.vector_store %arg8[%swap3A_974, %swap3A_975, %swap3A_976], %swap3A_979 {strides = array<i32>} : memref<5x8x512xf32, #tpu.memory_space<vmem>>, vector<1x1x16xf32>,
      %swap3A_980 = arith.constant 4 : i32
      %swap3A_981 = arith.constant 3 : i32
      %swap3A_982 = arith.index_cast %swap3A_980 : i32 to index
      %swap3A_983 = arith.index_cast %swap3A_981 : i32 to index
      %swap3A_984 = arith.index_cast %mul3A_952 : i32 to index
      %swap3A_985 = tpu.vector_load %arg8[%swap3A_982, %swap3A_983, %swap3A_984] {strides = array<i32>} : memref<5x8x512xf32, #tpu.memory_space<vmem>>, vector<1x1x16xf32>,
      %swap3A_986 = vector.shape_cast %swap3A_985 : vector<1x1x16xf32> to vector<16xf32>
      %swap3A_987 = vector.shape_cast %get3A_956 : vector<16xf32> to vector<1x1x16xf32>
      tpu.vector_store %arg8[%swap3A_982, %swap3A_983, %swap3A_984], %swap3A_987 {strides = array<i32>} : memref<5x8x512xf32, #tpu.memory_space<vmem>>, vector<1x1x16xf32>,
      %swap3A_988 = arith.constant 4 : i32
      %swap3A_989 = arith.constant 4 : i32
      %swap3A_990 = arith.index_cast %swap3A_988 : i32 to index
      %swap3A_991 = arith.index_cast %swap3A_989 : i32 to index
      %swap3A_992 = arith.index_cast %mul3A_952 : i32 to index
      %swap3A_993 = tpu.vector_load %arg8[%swap3A_990, %swap3A_991, %swap3A_992] {strides = array<i32>} : memref<5x8x512xf32, #tpu.memory_space<vmem>>, vector<1x1x16xf32>,
      %swap3A_994 = vector.shape_cast %swap3A_993 : vector<1x1x16xf32> to vector<16xf32>
      %swap3A_995 = vector.shape_cast %get3A_956 : vector<16xf32> to vector<1x1x16xf32>
      tpu.vector_store %arg8[%swap3A_990, %swap3A_991, %swap3A_992], %swap3A_995 {strides = array<i32>} : memref<5x8x512xf32, #tpu.memory_space<vmem>>, vector<1x1x16xf32>,
      %swap3A_996 = arith.constant 4 : i32
      %swap3A_997 = arith.constant 5 : i32
      %swap3A_998 = arith.index_cast %swap3A_996 : i32 to index
      %swap3A_999 = arith.index_cast %swap3A_997 : i32 to index
      %swap3A_1000 = arith.index_cast %mul3A_952 : i32 to index
      %swap3A_1001 = tpu.vector_load %arg8[%swap3A_998, %swap3A_999, %swap3A_1000] {strides = array<i32>} : memref<5x8x512xf32, #tpu.memory_space<vmem>>, vector<1x1x16xf32>,
      %swap3A_1002 = vector.shape_cast %swap3A_1001 : vector<1x1x16xf32> to vector<16xf32>
      %swap3A_1003 = vector.shape_cast %get3A_956 : vector<16xf32> to vector<1x1x16xf32>
      tpu.vector_store %arg8[%swap3A_998, %swap3A_999, %swap3A_1000], %swap3A_1003 {strides = array<i32>} : memref<5x8x512xf32, #tpu.memory_space<vmem>>, vector<1x1x16xf32>,
      %swap3A_1004 = arith.constant 4 : i32
      %swap3A_1005 = arith.constant 6 : i32
      %swap3A_1006 = arith.index_cast %swap3A_1004 : i32 to index
      %swap3A_1007 = arith.index_cast %swap3A_1005 : i32 to index
      %swap3A_1008 = arith.index_cast %mul3A_952 : i32 to index
      %swap3A_1009 = tpu.vector_load %arg8[%swap3A_1006, %swap3A_1007, %swap3A_1008] {strides = array<i32>} : memref<5x8x512xf32, #tpu.memory_space<vmem>>, vector<1x1x16xf32>,
      %swap3A_1010 = vector.shape_cast %swap3A_1009 : vector<1x1x16xf32> to vector<16xf32>
      %swap3A_1011 = vector.shape_cast %get3A_956 : vector<16xf32> to vector<1x1x16xf32>
      tpu.vector_store %arg8[%swap3A_1006, %swap3A_1007, %swap3A_1008], %swap3A_1011 {strides = array<i32>} : memref<5x8x512xf32, #tpu.memory_space<vmem>>, vector<1x1x16xf32>,
      %swap3A_1012 = arith.constant 4 : i32
      %swap3A_1013 = arith.constant 7 : i32
      %swap3A_1014 = arith.index_cast %swap3A_1012 : i32 to index
      %swap3A_1015 = arith.index_cast %swap3A_1013 : i32 to index
      %swap3A_1016 = arith.index_cast %mul3A_952 : i32 to index
      %swap3A_1017 = tpu.vector_load %arg8[%swap3A_1014, %swap3A_1015, %swap3A_1016] {strides = array<i32>} : memref<5x8x512xf32, #tpu.memory_space<vmem>>, vector<1x1x16xf32>,
      %swap3A_1018 = vector.shape_cast %swap3A_1017 : vector<1x1x16xf32> to vector<16xf32>
      %swap3A_1019 = vector.shape_cast %get3A_956 : vector<16xf32> to vector<1x1x16xf32>
      tpu.vector_store %arg8[%swap3A_1014, %swap3A_1015, %swap3A_1016], %swap3A_1019 {strides = array<i32>} : memref<5x8x512xf32, #tpu.memory_space<vmem>>, vector<1x1x16xf32>,
    }
    %scan3A_525 = arith.constant 32 : i32
    %add3A_526 = arith.constant 0 : i32
    %add3A_527 = arith.addi %multiple_of3A, %add3A_526 : i32
    %dma_start3A_528 = arith.constant 4 : i32
    %dma_start3A_529 = arith.constant 4 : i32
    %dma_start3A_530 = arith.constant 0 : i32
    %dma_start3A_531 = arith.constant 0 : i32
    %dma_start3A_532 = tpu.memref_slice %arg8[%dma_start3A_528, %dma_start3A_530, %dma_start3A_531] : memref<5x8x512xf32, #tpu.memory_space<vmem>> -> memref<1x8x512xf32, #tpu.memory_space<vmem>>
    %dma_start3A_533 = tpu.memref_squeeze %dma_start3A_532 : memref<1x8x512xf32, #tpu.memory_space<vmem>> -> memref<8x512xf32, #tpu.memory_space<vmem>>
    %dma_start3A_534 = arith.constant 0 : i32
    %dma_start3A_535 = tpu.memref_slice %arg5[%dma_start3A_529, %add3A_527, %dma_start3A_534] : memref<77x1000x512xf32, #tpu.memory_space<hbm>> -> memref<1x8x512xf32, #tpu.memory_space<hbm>>
    %dma_start3A_536 = tpu.memref_squeeze %dma_start3A_535 : memref<1x8x512xf32, #tpu.memory_space<hbm>> -> memref<8x512xf32, #tpu.memory_space<hbm>>
    %dma_start3A_537 = arith.constant 0 : i32
    %dma_start3A_538 = tpu.memref_slice %arg5[%dma_start3A_529, %add3A_527, %dma_start3A_537] : memref<77x1000x512xf32, #tpu.memory_space<hbm>> -> memref<1x8x512xf32, #tpu.memory_space<hbm>>
    %dma_start3A_539 = tpu.memref_squeeze %dma_start3A_538 : memref<1x8x512xf32, #tpu.memory_space<hbm>> -> memref<8x512xf32, #tpu.memory_space<hbm>>
    %dma_start3A_540 = arith.constant 0 : i32
    %dma_start3A_541 = arith.constant 0 : i32
    %dma_start3A_542 = tpu.memref_slice %arg8[%dma_start3A_528, %dma_start3A_540, %dma_start3A_541] : memref<5x8x512xf32, #tpu.memory_space<vmem>> -> memref<1x8x512xf32, #tpu.memory_space<vmem>>
    %dma_start3A_543 = tpu.memref_squeeze %dma_start3A_542 : memref<1x8x512xf32, #tpu.memory_space<vmem>> -> memref<8x512xf32, #tpu.memory_space<vmem>>
    tpu.enqueue_dma source(%dma_start3A_543 : memref<8x512xf32, #tpu.memory_space<vmem>>) target(%dma_start3A_539 : memref<8x512xf32, #tpu.memory_space<hbm>>) target_semaphore(%arg10 : memref<!tpu.dma_semaphore, #tpu.memory_space<semaphore_mem>>)
    %add3A_544 = arith.constant 8 : i32
    %add3A_545 = arith.addi %multiple_of3A, %add3A_544 : i32
    %dma_start3A_546 = arith.constant 4 : i32
    %dma_start3A_547 = arith.constant 4 : i32
    %dma_start3A_548 = arith.constant 0 : i32
    %dma_start3A_549 = arith.constant 0 : i32
    %dma_start3A_550 = tpu.memref_slice %arg8[%dma_start3A_546, %dma_start3A_548, %dma_start3A_549] : memref<5x8x512xf32, #tpu.memory_space<vmem>> -> memref<1x8x512xf32, #tpu.memory_space<vmem>>
    %dma_start3A_551 = tpu.memref_squeeze %dma_start3A_550 : memref<1x8x512xf32, #tpu.memory_space<vmem>> -> memref<8x512xf32, #tpu.memory_space<vmem>>
    %dma_start3A_552 = arith.constant 0 : i32
    %dma_start3A_553 = tpu.memref_slice %arg5[%dma_start3A_547, %add3A_545, %dma_start3A_552] : memref<77x1000x512xf32, #tpu.memory_space<hbm>> -> memref<1x8x512xf32, #tpu.memory_space<hbm>>
    %dma_start3A_554 = tpu.memref_squeeze %dma_start3A_553 : memref<1x8x512xf32, #tpu.memory_space<hbm>> -> memref<8x512xf32, #tpu.memory_space<hbm>>
    %dma_start3A_555 = arith.constant 0 : i32
    %dma_start3A_556 = tpu.memref_slice %arg5[%dma_start3A_547, %add3A_545, %dma_start3A_555] : memref<77x1000x512xf32, #tpu.memory_space<hbm>> -> memref<1x8x512xf32, #tpu.memory_space<hbm>>
    %dma_start3A_557 = tpu.memref_squeeze %dma_start3A_556 : memref<1x8x512xf32, #tpu.memory_space<hbm>> -> memref<8x512xf32, #tpu.memory_space<hbm>>
    %dma_start3A_558 = arith.constant 0 : i32
    %dma_start3A_559 = arith.constant 0 : i32
    %dma_start3A_560 = tpu.memref_slice %arg8[%dma_start3A_546, %dma_start3A_558, %dma_start3A_559] : memref<5x8x512xf32, #tpu.memory_space<vmem>> -> memref<1x8x512xf32, #tpu.memory_space<vmem>>
    %dma_start3A_561 = tpu.memref_squeeze %dma_start3A_560 : memref<1x8x512xf32, #tpu.memory_space<vmem>> -> memref<8x512xf32, #tpu.memory_space<vmem>>
    tpu.enqueue_dma source(%dma_start3A_561 : memref<8x512xf32, #tpu.memory_space<vmem>>) target(%dma_start3A_557 : memref<8x512xf32, #tpu.memory_space<hbm>>) target_semaphore(%arg10 : memref<!tpu.dma_semaphore, #tpu.memory_space<semaphore_mem>>)
    %add3A_562 = arith.constant 16 : i32
    %add3A_563 = arith.addi %multiple_of3A, %add3A_562 : i32
    %dma_start3A_564 = arith.constant 4 : i32
    %dma_start3A_565 = arith.constant 4 : i32
    %dma_start3A_566 = arith.constant 0 : i32
    %dma_start3A_567 = arith.constant 0 : i32
    %dma_start3A_568 = tpu.memref_slice %arg8[%dma_start3A_564, %dma_start3A_566, %dma_start3A_567] : memref<5x8x512xf32, #tpu.memory_space<vmem>> -> memref<1x8x512xf32, #tpu.memory_space<vmem>>
    %dma_start3A_569 = tpu.memref_squeeze %dma_start3A_568 : memref<1x8x512xf32, #tpu.memory_space<vmem>> -> memref<8x512xf32, #tpu.memory_space<vmem>>
    %dma_start3A_570 = arith.constant 0 : i32
    %dma_start3A_571 = tpu.memref_slice %arg5[%dma_start3A_565, %add3A_563, %dma_start3A_570] : memref<77x1000x512xf32, #tpu.memory_space<hbm>> -> memref<1x8x512xf32, #tpu.memory_space<hbm>>
    %dma_start3A_572 = tpu.memref_squeeze %dma_start3A_571 : memref<1x8x512xf32, #tpu.memory_space<hbm>> -> memref<8x512xf32, #tpu.memory_space<hbm>>
    %dma_start3A_573 = arith.constant 0 : i32
    %dma_start3A_574 = tpu.memref_slice %arg5[%dma_start3A_565, %add3A_563, %dma_start3A_573] : memref<77x1000x512xf32, #tpu.memory_space<hbm>> -> memref<1x8x512xf32, #tpu.memory_space<hbm>>
    %dma_start3A_575 = tpu.memref_squeeze %dma_start3A_574 : memref<1x8x512xf32, #tpu.memory_space<hbm>> -> memref<8x512xf32, #tpu.memory_space<hbm>>
    %dma_start3A_576 = arith.constant 0 : i32
    %dma_start3A_577 = arith.constant 0 : i32
    %dma_start3A_578 = tpu.memref_slice %arg8[%dma_start3A_564, %dma_start3A_576, %dma_start3A_577] : memref<5x8x512xf32, #tpu.memory_space<vmem>> -> memref<1x8x512xf32, #tpu.memory_space<vmem>>
    %dma_start3A_579 = tpu.memref_squeeze %dma_start3A_578 : memref<1x8x512xf32, #tpu.memory_space<vmem>> -> memref<8x512xf32, #tpu.memory_space<vmem>>
    tpu.enqueue_dma source(%dma_start3A_579 : memref<8x512xf32, #tpu.memory_space<vmem>>) target(%dma_start3A_575 : memref<8x512xf32, #tpu.memory_space<hbm>>) target_semaphore(%arg10 : memref<!tpu.dma_semaphore, #tpu.memory_space<semaphore_mem>>)
    %add3A_580 = arith.constant 24 : i32
    %add3A_581 = arith.addi %multiple_of3A, %add3A_580 : i32
    %dma_start3A_582 = arith.constant 4 : i32
    %dma_start3A_583 = arith.constant 4 : i32
    %dma_start3A_584 = arith.constant 0 : i32
    %dma_start3A_585 = arith.constant 0 : i32
    %dma_start3A_586 = tpu.memref_slice %arg8[%dma_start3A_582, %dma_start3A_584, %dma_start3A_585] : memref<5x8x512xf32, #tpu.memory_space<vmem>> -> memref<1x8x512xf32, #tpu.memory_space<vmem>>
    %dma_start3A_587 = tpu.memref_squeeze %dma_start3A_586 : memref<1x8x512xf32, #tpu.memory_space<vmem>> -> memref<8x512xf32, #tpu.memory_space<vmem>>
    %dma_start3A_588 = arith.constant 0 : i32
    %dma_start3A_589 = tpu.memref_slice %arg5[%dma_start3A_583, %add3A_581, %dma_start3A_588] : memref<77x1000x512xf32, #tpu.memory_space<hbm>> -> memref<1x8x512xf32, #tpu.memory_space<hbm>>
    %dma_start3A_590 = tpu.memref_squeeze %dma_start3A_589 : memref<1x8x512xf32, #tpu.memory_space<hbm>> -> memref<8x512xf32, #tpu.memory_space<hbm>>
    %dma_start3A_591 = arith.constant 0 : i32
    %dma_start3A_592 = tpu.memref_slice %arg5[%dma_start3A_583, %add3A_581, %dma_start3A_591] : memref<77x1000x512xf32, #tpu.memory_space<hbm>> -> memref<1x8x512xf32, #tpu.memory_space<hbm>>
    %dma_start3A_593 = tpu.memref_squeeze %dma_start3A_592 : memref<1x8x512xf32, #tpu.memory_space<hbm>> -> memref<8x512xf32, #tpu.memory_space<hbm>>
    %dma_start3A_594 = arith.constant 0 : i32
    %dma_start3A_595 = arith.constant 0 : i32
    %dma_start3A_596 = tpu.memref_slice %arg8[%dma_start3A_582, %dma_start3A_594, %dma_start3A_595] : memref<5x8x512xf32, #tpu.memory_space<vmem>> -> memref<1x8x512xf32, #tpu.memory_space<vmem>>
    %dma_start3A_597 = tpu.memref_squeeze %dma_start3A_596 : memref<1x8x512xf32, #tpu.memory_space<vmem>> -> memref<8x512xf32, #tpu.memory_space<vmem>>
    tpu.enqueue_dma source(%dma_start3A_597 : memref<8x512xf32, #tpu.memory_space<vmem>>) target(%dma_start3A_593 : memref<8x512xf32, #tpu.memory_space<hbm>>) target_semaphore(%arg10 : memref<!tpu.dma_semaphore, #tpu.memory_space<semaphore_mem>>)
    %dma_wait3A_598 = arith.constant 0 : i32
    %dma_wait3A_599 = arith.constant 0 : i32
    %dma_wait3A_600 = arith.constant 0 : i32
    %dma_wait3A_601 = arith.constant 0 : i32
    %dma_wait3A_602 = tpu.memref_slice %arg5[%dma_wait3A_599, %dma_wait3A_600, %dma_wait3A_601] : memref<77x1000x512xf32, #tpu.memory_space<hbm>> -> memref<3x32x512xf32, #tpu.memory_space<hbm>>
    %dma_wait3A_603 = arith.constant 0 : i32
    %dma_wait3A_604 = arith.constant 0 : i32
    %dma_wait3A_605 = arith.constant 0 : i32
    %dma_wait3A_606 = arith.constant 0 : i32
    %dma_wait3A_607 = tpu.memref_slice %arg6[%arg1, %dma_wait3A_603, %dma_wait3A_604, %dma_wait3A_605, %dma_wait3A_606] : memref<16x2x3x32x512xf32, #tpu.memory_space<vmem_shared>> -> memref<1x2x3x32x512xf32, #tpu.memory_space<vmem_shared>>
    %dma_wait3A_608 = tpu.memref_squeeze %dma_wait3A_607 : memref<1x2x3x32x512xf32, #tpu.memory_space<vmem_shared>> -> memref<2x3x32x512xf32, #tpu.memory_space<vmem_shared>>
    %dma_wait3A_609 = arith.constant 0 : i32
    %dma_wait3A_610 = arith.constant 0 : i32
    %dma_wait3A_611 = arith.constant 0 : i32
    %dma_wait3A_612 = tpu.memref_slice %dma_wait3A_608[%dma_wait3A_598, %dma_wait3A_609, %dma_wait3A_610, %dma_wait3A_611] : memref<2x3x32x512xf32, #tpu.memory_space<vmem_shared>> -> memref<1x3x32x512xf32, #tpu.memory_space<vmem_shared>>
    %dma_wait3A_613 = tpu.memref_squeeze %dma_wait3A_612 : memref<1x3x32x512xf32, #tpu.memory_space<vmem_shared>> -> memref<3x32x512xf32, #tpu.memory_space<vmem_shared>>
    tpu.wait_dma2 semaphore(%arg10 : memref<!tpu.dma_semaphore, #tpu.memory_space<semaphore_mem>>) src(%dma_wait3A_613 : memref<3x32x512xf32, #tpu.memory_space<vmem_shared>>) dst(%dma_wait3A_602 : memref<3x32x512xf32, #tpu.memory_space<hbm>>)
    %dma_wait3A_614 = arith.constant 0 : i32
    %dma_wait3A_615 = arith.constant 0 : i32
    %dma_wait3A_616 = arith.constant 0 : i32
    %dma_wait3A_617 = arith.constant 0 : i32
    %dma_wait3A_618 = tpu.memref_slice %arg5[%dma_wait3A_615, %dma_wait3A_616, %dma_wait3A_617] : memref<77x1000x512xf32, #tpu.memory_space<hbm>> -> memref<1x32x512xf32, #tpu.memory_space<hbm>>
    %dma_wait3A_619 = arith.constant 0 : i32
    %dma_wait3A_620 = arith.constant 0 : i32
    %dma_wait3A_621 = arith.constant 0 : i32
    %dma_wait3A_622 = arith.constant 0 : i32
    %dma_wait3A_623 = tpu.memref_slice %arg6[%arg1, %dma_wait3A_619, %dma_wait3A_620, %dma_wait3A_621, %dma_wait3A_622] : memref<16x2x3x32x512xf32, #tpu.memory_space<vmem_shared>> -> memref<1x2x3x32x512xf32, #tpu.memory_space<vmem_shared>>
    %dma_wait3A_624 = tpu.memref_squeeze %dma_wait3A_623 : memref<1x2x3x32x512xf32, #tpu.memory_space<vmem_shared>> -> memref<2x3x32x512xf32, #tpu.memory_space<vmem_shared>>
    %dma_wait3A_625 = arith.constant 0 : i32
    %dma_wait3A_626 = arith.constant 0 : i32
    %dma_wait3A_627 = arith.constant 0 : i32
    %dma_wait3A_628 = tpu.memref_slice %dma_wait3A_624[%dma_wait3A_614, %dma_wait3A_625, %dma_wait3A_626, %dma_wait3A_627] : memref<2x3x32x512xf32, #tpu.memory_space<vmem_shared>> -> memref<1x1x32x512xf32, #tpu.memory_space<vmem_shared>>
    %dma_wait3A_629 = tpu.memref_squeeze %dma_wait3A_628 : memref<1x1x32x512xf32, #tpu.memory_space<vmem_shared>> -> memref<1x32x512xf32, #tpu.memory_space<vmem_shared>>
    tpu.wait_dma2 semaphore(%arg10 : memref<!tpu.dma_semaphore, #tpu.memory_space<semaphore_mem>>) src(%dma_wait3A_629 : memref<1x32x512xf32, #tpu.memory_space<vmem_shared>>) dst(%dma_wait3A_618 : memref<1x32x512xf32, #tpu.memory_space<hbm>>)
    %dma_wait3A_630 = arith.constant 0 : i32
    %dma_wait3A_631 = arith.constant 0 : i32
    %dma_wait3A_632 = arith.constant 0 : i32
    %dma_wait3A_633 = arith.constant 0 : i32
    %dma_wait3A_634 = tpu.memref_slice %arg8[%dma_wait3A_630, %dma_wait3A_632, %dma_wait3A_633] : memref<5x8x512xf32, #tpu.memory_space<vmem>> -> memref<1x8x512xf32, #tpu.memory_space<vmem>>
    %dma_wait3A_635 = tpu.memref_squeeze %dma_wait3A_634 : memref<1x8x512xf32, #tpu.memory_space<vmem>> -> memref<8x512xf32, #tpu.memory_space<vmem>>
    %dma_wait3A_636 = arith.constant 0 : i32
    %dma_wait3A_637 = tpu.memref_slice %arg5[%dma_wait3A_631, %multiple_of3A, %dma_wait3A_636] : memref<77x1000x512xf32, #tpu.memory_space<hbm>> -> memref<1x8x512xf32, #tpu.memory_space<hbm>>
    %dma_wait3A_638 = tpu.memref_squeeze %dma_wait3A_637 : memref<1x8x512xf32, #tpu.memory_space<hbm>> -> memref<8x512xf32, #tpu.memory_space<hbm>>
    %dma_wait3A_639 = arith.constant 0 : i32
    %dma_wait3A_640 = tpu.memref_slice %arg5[%dma_wait3A_631, %multiple_of3A, %dma_wait3A_639] : memref<77x1000x512xf32, #tpu.memory_space<hbm>> -> memref<1x8x512xf32, #tpu.memory_space<hbm>>
    %dma_wait3A_641 = tpu.memref_squeeze %dma_wait3A_640 : memref<1x8x512xf32, #tpu.memory_space<hbm>> -> memref<8x512xf32, #tpu.memory_space<hbm>>
    %dma_wait3A_642 = arith.constant 0 : i32
    %dma_wait3A_643 = arith.constant 0 : i32
    %dma_wait3A_644 = tpu.memref_slice %arg8[%dma_wait3A_630, %dma_wait3A_642, %dma_wait3A_643] : memref<5x8x512xf32, #tpu.memory_space<vmem>> -> memref<1x8x512xf32, #tpu.memory_space<vmem>>
    %dma_wait3A_645 = tpu.memref_squeeze %dma_wait3A_644 : memref<1x8x512xf32, #tpu.memory_space<vmem>> -> memref<8x512xf32, #tpu.memory_space<vmem>>
    tpu.wait_dma2 semaphore(%arg10 : memref<!tpu.dma_semaphore, #tpu.memory_space<semaphore_mem>>) src(%dma_wait3A_645 : memref<8x512xf32, #tpu.memory_space<vmem>>) dst(%dma_wait3A_641 : memref<8x512xf32, #tpu.memory_space<hbm>>)
    %dma_wait3A_646 = arith.constant 0 : i32
    %dma_wait3A_647 = arith.constant 0 : i32
    %dma_wait3A_648 = arith.constant 0 : i32
    %dma_wait3A_649 = arith.constant 0 : i32
    %dma_wait3A_650 = tpu.memref_slice %arg8[%dma_wait3A_646, %dma_wait3A_648, %dma_wait3A_649] : memref<5x8x512xf32, #tpu.memory_space<vmem>> -> memref<1x8x512xf32, #tpu.memory_space<vmem>>
    %dma_wait3A_651 = tpu.memref_squeeze %dma_wait3A_650 : memref<1x8x512xf32, #tpu.memory_space<vmem>> -> memref<8x512xf32, #tpu.memory_space<vmem>>
    %dma_wait3A_652 = arith.constant 0 : i32
    %dma_wait3A_653 = tpu.memref_slice %arg5[%dma_wait3A_647, %multiple_of3A, %dma_wait3A_652] : memref<77x1000x512xf32, #tpu.memory_space<hbm>> -> memref<1x8x512xf32, #tpu.memory_space<hbm>>
    %dma_wait3A_654 = tpu.memref_squeeze %dma_wait3A_653 : memref<1x8x512xf32, #tpu.memory_space<hbm>> -> memref<8x512xf32, #tpu.memory_space<hbm>>
    %dma_wait3A_655 = arith.constant 0 : i32
    %dma_wait3A_656 = tpu.memref_slice %arg5[%dma_wait3A_647, %multiple_of3A, %dma_wait3A_655] : memref<77x1000x512xf32, #tpu.memory_space<hbm>> -> memref<1x8x512xf32, #tpu.memory_space<hbm>>
    %dma_wait3A_657 = tpu.memref_squeeze %dma_wait3A_656 : memref<1x8x512xf32, #tpu.memory_space<hbm>> -> memref<8x512xf32, #tpu.memory_space<hbm>>
    %dma_wait3A_658 = arith.constant 0 : i32
    %dma_wait3A_659 = arith.constant 0 : i32
    %dma_wait3A_660 = tpu.memref_slice %arg8[%dma_wait3A_646, %dma_wait3A_658, %dma_wait3A_659] : memref<5x8x512xf32, #tpu.memory_space<vmem>> -> memref<1x8x512xf32, #tpu.memory_space<vmem>>
    %dma_wait3A_661 = tpu.memref_squeeze %dma_wait3A_660 : memref<1x8x512xf32, #tpu.memory_space<vmem>> -> memref<8x512xf32, #tpu.memory_space<vmem>>
    tpu.wait_dma2 semaphore(%arg10 : memref<!tpu.dma_semaphore, #tpu.memory_space<semaphore_mem>>) src(%dma_wait3A_661 : memref<8x512xf32, #tpu.memory_space<vmem>>) dst(%dma_wait3A_657 : memref<8x512xf32, #tpu.memory_space<hbm>>)
    %dma_wait3A_662 = arith.constant 0 : i32
    %dma_wait3A_663 = arith.constant 0 : i32
    %dma_wait3A_664 = arith.constant 0 : i32
    %dma_wait3A_665 = arith.constant 0 : i32
    %dma_wait3A_666 = tpu.memref_slice %arg8[%dma_wait3A_662, %dma_wait3A_664, %dma_wait3A_665] : memref<5x8x512xf32, #tpu.memory_space<vmem>> -> memref<1x8x512xf32, #tpu.memory_space<vmem>>
    %dma_wait3A_667 = tpu.memref_squeeze %dma_wait3A_666 : memref<1x8x512xf32, #tpu.memory_space<vmem>> -> memref<8x512xf32, #tpu.memory_space<vmem>>
    %dma_wait3A_668 = arith.constant 0 : i32
    %dma_wait3A_669 = tpu.memref_slice %arg5[%dma_wait3A_663, %multiple_of3A, %dma_wait3A_668] : memref<77x1000x512xf32, #tpu.memory_space<hbm>> -> memref<1x8x512xf32, #tpu.memory_space<hbm>>
    %dma_wait3A_670 = tpu.memref_squeeze %dma_wait3A_669 : memref<1x8x512xf32, #tpu.memory_space<hbm>> -> memref<8x512xf32, #tpu.memory_space<hbm>>
    %dma_wait3A_671 = arith.constant 0 : i32
    %dma_wait3A_672 = tpu.memref_slice %arg5[%dma_wait3A_663, %multiple_of3A, %dma_wait3A_671] : memref<77x1000x512xf32, #tpu.memory_space<hbm>> -> memref<1x8x512xf32, #tpu.memory_space<hbm>>
    %dma_wait3A_673 = tpu.memref_squeeze %dma_wait3A_672 : memref<1x8x512xf32, #tpu.memory_space<hbm>> -> memref<8x512xf32, #tpu.memory_space<hbm>>
    %dma_wait3A_674 = arith.constant 0 : i32
    %dma_wait3A_675 = arith.constant 0 : i32
    %dma_wait3A_676 = tpu.memref_slice %arg8[%dma_wait3A_662, %dma_wait3A_674, %dma_wait3A_675] : memref<5x8x512xf32, #tpu.memory_space<vmem>> -> memref<1x8x512xf32, #tpu.memory_space<vmem>>
    %dma_wait3A_677 = tpu.memref_squeeze %dma_wait3A_676 : memref<1x8x512xf32, #tpu.memory_space<vmem>> -> memref<8x512xf32, #tpu.memory_space<vmem>>
    tpu.wait_dma2 semaphore(%arg10 : memref<!tpu.dma_semaphore, #tpu.memory_space<semaphore_mem>>) src(%dma_wait3A_677 : memref<8x512xf32, #tpu.memory_space<vmem>>) dst(%dma_wait3A_673 : memref<8x512xf32, #tpu.memory_space<hbm>>)
    %dma_wait3A_678 = arith.constant 0 : i32
    %dma_wait3A_679 = arith.constant 0 : i32
    %dma_wait3A_680 = arith.constant 0 : i32
    %dma_wait3A_681 = arith.constant 0 : i32
    %dma_wait3A_682 = tpu.memref_slice %arg8[%dma_wait3A_678, %dma_wait3A_680, %dma_wait3A_681] : memref<5x8x512xf32, #tpu.memory_space<vmem>> -> memref<1x8x512xf32, #tpu.memory_space<vmem>>
    %dma_wait3A_683 = tpu.memref_squeeze %dma_wait3A_682 : memref<1x8x512xf32, #tpu.memory_space<vmem>> -> memref<8x512xf32, #tpu.memory_space<vmem>>
    %dma_wait3A_684 = arith.constant 0 : i32
    %dma_wait3A_685 = tpu.memref_slice %arg5[%dma_wait3A_679, %multiple_of3A, %dma_wait3A_684] : memref<77x1000x512xf32, #tpu.memory_space<hbm>> -> memref<1x8x512xf32, #tpu.memory_space<hbm>>
    %dma_wait3A_686 = tpu.memref_squeeze %dma_wait3A_685 : memref<1x8x512xf32, #tpu.memory_space<hbm>> -> memref<8x512xf32, #tpu.memory_space<hbm>>
    %dma_wait3A_687 = arith.constant 0 : i32
    %dma_wait3A_688 = tpu.memref_slice %arg5[%dma_wait3A_679, %multiple_of3A, %dma_wait3A_687] : memref<77x1000x512xf32, #tpu.memory_space<hbm>> -> memref<1x8x512xf32, #tpu.memory_space<hbm>>
    %dma_wait3A_689 = tpu.memref_squeeze %dma_wait3A_688 : memref<1x8x512xf32, #tpu.memory_space<hbm>> -> memref<8x512xf32, #tpu.memory_space<hbm>>
    %dma_wait3A_690 = arith.constant 0 : i32
    %dma_wait3A_691 = arith.constant 0 : i32
    %dma_wait3A_692 = tpu.memref_slice %arg8[%dma_wait3A_678, %dma_wait3A_690, %dma_wait3A_691] : memref<5x8x512xf32, #tpu.memory_space<vmem>> -> memref<1x8x512xf32, #tpu.memory_space<vmem>>
    %dma_wait3A_693 = tpu.memref_squeeze %dma_wait3A_692 : memref<1x8x512xf32, #tpu.memory_space<vmem>> -> memref<8x512xf32, #tpu.memory_space<vmem>>
    tpu.wait_dma2 semaphore(%arg10 : memref<!tpu.dma_semaphore, #tpu.memory_space<semaphore_mem>>) src(%dma_wait3A_693 : memref<8x512xf32, #tpu.memory_space<vmem>>) dst(%dma_wait3A_689 : memref<8x512xf32, #tpu.memory_space<hbm>>)
    %dma_wait3A_694 = arith.constant 1 : i32
    %dma_wait3A_695 = arith.constant 1 : i32
    %dma_wait3A_696 = arith.constant 0 : i32
    %dma_wait3A_697 = arith.constant 0 : i32
    %dma_wait3A_698 = tpu.memref_slice %arg8[%dma_wait3A_694, %dma_wait3A_696, %dma_wait3A_697] : memref<5x8x512xf32, #tpu.memory_space<vmem>> -> memref<1x8x512xf32, #tpu.memory_space<vmem>>
    %dma_wait3A_699 = tpu.memref_squeeze %dma_wait3A_698 : memref<1x8x512xf32, #tpu.memory_space<vmem>> -> memref<8x512xf32, #tpu.memory_space<vmem>>
    %dma_wait3A_700 = arith.constant 0 : i32
    %dma_wait3A_701 = tpu.memref_slice %arg5[%dma_wait3A_695, %multiple_of3A, %dma_wait3A_700] : memref<77x1000x512xf32, #tpu.memory_space<hbm>> -> memref<1x8x512xf32, #tpu.memory_space<hbm>>
    %dma_wait3A_702 = tpu.memref_squeeze %dma_wait3A_701 : memref<1x8x512xf32, #tpu.memory_space<hbm>> -> memref<8x512xf32, #tpu.memory_space<hbm>>
    %dma_wait3A_703 = arith.constant 0 : i32
    %dma_wait3A_704 = tpu.memref_slice %arg5[%dma_wait3A_695, %multiple_of3A, %dma_wait3A_703] : memref<77x1000x512xf32, #tpu.memory_space<hbm>> -> memref<1x8x512xf32, #tpu.memory_space<hbm>>
    %dma_wait3A_705 = tpu.memref_squeeze %dma_wait3A_704 : memref<1x8x512xf32, #tpu.memory_space<hbm>> -> memref<8x512xf32, #tpu.memory_space<hbm>>
    %dma_wait3A_706 = arith.constant 0 : i32
    %dma_wait3A_707 = arith.constant 0 : i32
    %dma_wait3A_708 = tpu.memref_slice %arg8[%dma_wait3A_694, %dma_wait3A_706, %dma_wait3A_707] : memref<5x8x512xf32, #tpu.memory_space<vmem>> -> memref<1x8x512xf32, #tpu.memory_space<vmem>>
    %dma_wait3A_709 = tpu.memref_squeeze %dma_wait3A_708 : memref<1x8x512xf32, #tpu.memory_space<vmem>> -> memref<8x512xf32, #tpu.memory_space<vmem>>
    tpu.wait_dma2 semaphore(%arg10 : memref<!tpu.dma_semaphore, #tpu.memory_space<semaphore_mem>>) src(%dma_wait3A_709 : memref<8x512xf32, #tpu.memory_space<vmem>>) dst(%dma_wait3A_705 : memref<8x512xf32, #tpu.memory_space<hbm>>)
    %dma_wait3A_710 = arith.constant 1 : i32
    %dma_wait3A_711 = arith.constant 1 : i32
    %dma_wait3A_712 = arith.constant 0 : i32
    %dma_wait3A_713 = arith.constant 0 : i32
    %dma_wait3A_714 = tpu.memref_slice %arg8[%dma_wait3A_710, %dma_wait3A_712, %dma_wait3A_713] : memref<5x8x512xf32, #tpu.memory_space<vmem>> -> memref<1x8x512xf32, #tpu.memory_space<vmem>>
    %dma_wait3A_715 = tpu.memref_squeeze %dma_wait3A_714 : memref<1x8x512xf32, #tpu.memory_space<vmem>> -> memref<8x512xf32, #tpu.memory_space<vmem>>
    %dma_wait3A_716 = arith.constant 0 : i32
    %dma_wait3A_717 = tpu.memref_slice %arg5[%dma_wait3A_711, %multiple_of3A, %dma_wait3A_716] : memref<77x1000x512xf32, #tpu.memory_space<hbm>> -> memref<1x8x512xf32, #tpu.memory_space<hbm>>
    %dma_wait3A_718 = tpu.memref_squeeze %dma_wait3A_717 : memref<1x8x512xf32, #tpu.memory_space<hbm>> -> memref<8x512xf32, #tpu.memory_space<hbm>>
    %dma_wait3A_719 = arith.constant 0 : i32
    %dma_wait3A_720 = tpu.memref_slice %arg5[%dma_wait3A_711, %multiple_of3A, %dma_wait3A_719] : memref<77x1000x512xf32, #tpu.memory_space<hbm>> -> memref<1x8x512xf32, #tpu.memory_space<hbm>>
    %dma_wait3A_721 = tpu.memref_squeeze %dma_wait3A_720 : memref<1x8x512xf32, #tpu.memory_space<hbm>> -> memref<8x512xf32, #tpu.memory_space<hbm>>
    %dma_wait3A_722 = arith.constant 0 : i32
    %dma_wait3A_723 = arith.constant 0 : i32
    %dma_wait3A_724 = tpu.memref_slice %arg8[%dma_wait3A_710, %dma_wait3A_722, %dma_wait3A_723] : memref<5x8x512xf32, #tpu.memory_space<vmem>> -> memref<1x8x512xf32, #tpu.memory_space<vmem>>
    %dma_wait3A_725 = tpu.memref_squeeze %dma_wait3A_724 : memref<1x8x512xf32, #tpu.memory_space<vmem>> -> memref<8x512xf32, #tpu.memory_space<vmem>>
    tpu.wait_dma2 semaphore(%arg10 : memref<!tpu.dma_semaphore, #tpu.memory_space<semaphore_mem>>) src(%dma_wait3A_725 : memref<8x512xf32, #tpu.memory_space<vmem>>) dst(%dma_wait3A_721 : memref<8x512xf32, #tpu.memory_space<hbm>>)
    %dma_wait3A_726 = arith.constant 1 : i32
    %dma_wait3A_727 = arith.constant 1 : i32
    %dma_wait3A_728 = arith.constant 0 : i32
    %dma_wait3A_729 = arith.constant 0 : i32
    %dma_wait3A_730 = tpu.memref_slice %arg8[%dma_wait3A_726, %dma_wait3A_728, %dma_wait3A_729] : memref<5x8x512xf32, #tpu.memory_space<vmem>> -> memref<1x8x512xf32, #tpu.memory_space<vmem>>
    %dma_wait3A_731 = tpu.memref_squeeze %dma_wait3A_730 : memref<1x8x512xf32, #tpu.memory_space<vmem>> -> memref<8x512xf32, #tpu.memory_space<vmem>>
    %dma_wait3A_732 = arith.constant 0 : i32
    %dma_wait3A_733 = tpu.memref_slice %arg5[%dma_wait3A_727, %multiple_of3A, %dma_wait3A_732] : memref<77x1000x512xf32, #tpu.memory_space<hbm>> -> memref<1x8x512xf32, #tpu.memory_space<hbm>>
    %dma_wait3A_734 = tpu.memref_squeeze %dma_wait3A_733 : memref<1x8x512xf32, #tpu.memory_space<hbm>> -> memref<8x512xf32, #tpu.memory_space<hbm>>
    %dma_wait3A_735 = arith.constant 0 : i32
    %dma_wait3A_736 = tpu.memref_slice %arg5[%dma_wait3A_727, %multiple_of3A, %dma_wait3A_735] : memref<77x1000x512xf32, #tpu.memory_space<hbm>> -> memref<1x8x512xf32, #tpu.memory_space<hbm>>
    %dma_wait3A_737 = tpu.memref_squeeze %dma_wait3A_736 : memref<1x8x512xf32, #tpu.memory_space<hbm>> -> memref<8x512xf32, #tpu.memory_space<hbm>>
    %dma_wait3A_738 = arith.constant 0 : i32
    %dma_wait3A_739 = arith.constant 0 : i32
    %dma_wait3A_740 = tpu.memref_slice %arg8[%dma_wait3A_726, %dma_wait3A_738, %dma_wait3A_739] : memref<5x8x512xf32, #tpu.memory_space<vmem>> -> memref<1x8x512xf32, #tpu.memory_space<vmem>>
    %dma_wait3A_741 = tpu.memref_squeeze %dma_wait3A_740 : memref<1x8x512xf32, #tpu.memory_space<vmem>> -> memref<8x512xf32, #tpu.memory_space<vmem>>
    tpu.wait_dma2 semaphore(%arg10 : memref<!tpu.dma_semaphore, #tpu.memory_space<semaphore_mem>>) src(%dma_wait3A_741 : memref<8x512xf32, #tpu.memory_space<vmem>>) dst(%dma_wait3A_737 : memref<8x512xf32, #tpu.memory_space<hbm>>)
    %dma_wait3A_742 = arith.constant 1 : i32
    %dma_wait3A_743 = arith.constant 1 : i32
    %dma_wait3A_744 = arith.constant 0 : i32
    %dma_wait3A_745 = arith.constant 0 : i32
    %dma_wait3A_746 = tpu.memref_slice %arg8[%dma_wait3A_742, %dma_wait3A_744, %dma_wait3A_745] : memref<5x8x512xf32, #tpu.memory_space<vmem>> -> memref<1x8x512xf32, #tpu.memory_space<vmem>>
    %dma_wait3A_747 = tpu.memref_squeeze %dma_wait3A_746 : memref<1x8x512xf32, #tpu.memory_space<vmem>> -> memref<8x512xf32, #tpu.memory_space<vmem>>
    %dma_wait3A_748 = arith.constant 0 : i32
    %dma_wait3A_749 = tpu.memref_slice %arg5[%dma_wait3A_743, %multiple_of3A, %dma_wait3A_748] : memref<77x1000x512xf32, #tpu.memory_space<hbm>> -> memref<1x8x512xf32, #tpu.memory_space<hbm>>
    %dma_wait3A_750 = tpu.memref_squeeze %dma_wait3A_749 : memref<1x8x512xf32, #tpu.memory_space<hbm>> -> memref<8x512xf32, #tpu.memory_space<hbm>>
    %dma_wait3A_751 = arith.constant 0 : i32
    %dma_wait3A_752 = tpu.memref_slice %arg5[%dma_wait3A_743, %multiple_of3A, %dma_wait3A_751] : memref<77x1000x512xf32, #tpu.memory_space<hbm>> -> memref<1x8x512xf32, #tpu.memory_space<hbm>>
    %dma_wait3A_753 = tpu.memref_squeeze %dma_wait3A_752 : memref<1x8x512xf32, #tpu.memory_space<hbm>> -> memref<8x512xf32, #tpu.memory_space<hbm>>
    %dma_wait3A_754 = arith.constant 0 : i32
    %dma_wait3A_755 = arith.constant 0 : i32
    %dma_wait3A_756 = tpu.memref_slice %arg8[%dma_wait3A_742, %dma_wait3A_754, %dma_wait3A_755] : memref<5x8x512xf32, #tpu.memory_space<vmem>> -> memref<1x8x512xf32, #tpu.memory_space<vmem>>
    %dma_wait3A_757 = tpu.memref_squeeze %dma_wait3A_756 : memref<1x8x512xf32, #tpu.memory_space<vmem>> -> memref<8x512xf32, #tpu.memory_space<vmem>>
    tpu.wait_dma2 semaphore(%arg10 : memref<!tpu.dma_semaphore, #tpu.memory_space<semaphore_mem>>) src(%dma_wait3A_757 : memref<8x512xf32, #tpu.memory_space<vmem>>) dst(%dma_wait3A_753 : memref<8x512xf32, #tpu.memory_space<hbm>>)
    %dma_wait3A_758 = arith.constant 2 : i32
    %dma_wait3A_759 = arith.constant 2 : i32
    %dma_wait3A_760 = arith.constant 0 : i32
    %dma_wait3A_761 = arith.constant 0 : i32
    %dma_wait3A_762 = tpu.memref_slice %arg8[%dma_wait3A_758, %dma_wait3A_760, %dma_wait3A_761] : memref<5x8x512xf32, #tpu.memory_space<vmem>> -> memref<1x8x512xf32, #tpu.memory_space<vmem>>
    %dma_wait3A_763 = tpu.memref_squeeze %dma_wait3A_762 : memref<1x8x512xf32, #tpu.memory_space<vmem>> -> memref<8x512xf32, #tpu.memory_space<vmem>>
    %dma_wait3A_764 = arith.constant 0 : i32
    %dma_wait3A_765 = tpu.memref_slice %arg5[%dma_wait3A_759, %multiple_of3A, %dma_wait3A_764] : memref<77x1000x512xf32, #tpu.memory_space<hbm>> -> memref<1x8x512xf32, #tpu.memory_space<hbm>>
    %dma_wait3A_766 = tpu.memref_squeeze %dma_wait3A_765 : memref<1x8x512xf32, #tpu.memory_space<hbm>> -> memref<8x512xf32, #tpu.memory_space<hbm>>
    %dma_wait3A_767 = arith.constant 0 : i32
    %dma_wait3A_768 = tpu.memref_slice %arg5[%dma_wait3A_759, %multiple_of3A, %dma_wait3A_767] : memref<77x1000x512xf32, #tpu.memory_space<hbm>> -> memref<1x8x512xf32, #tpu.memory_space<hbm>>
    %dma_wait3A_769 = tpu.memref_squeeze %dma_wait3A_768 : memref<1x8x512xf32, #tpu.memory_space<hbm>> -> memref<8x512xf32, #tpu.memory_space<hbm>>
    %dma_wait3A_770 = arith.constant 0 : i32
    %dma_wait3A_771 = arith.constant 0 : i32
    %dma_wait3A_772 = tpu.memref_slice %arg8[%dma_wait3A_758, %dma_wait3A_770, %dma_wait3A_771] : memref<5x8x512xf32, #tpu.memory_space<vmem>> -> memref<1x8x512xf32, #tpu.memory_space<vmem>>
    %dma_wait3A_773 = tpu.memref_squeeze %dma_wait3A_772 : memref<1x8x512xf32, #tpu.memory_space<vmem>> -> memref<8x512xf32, #tpu.memory_space<vmem>>
    tpu.wait_dma2 semaphore(%arg10 : memref<!tpu.dma_semaphore, #tpu.memory_space<semaphore_mem>>) src(%dma_wait3A_773 : memref<8x512xf32, #tpu.memory_space<vmem>>) dst(%dma_wait3A_769 : memref<8x512xf32, #tpu.memory_space<hbm>>)
    %dma_wait3A_774 = arith.constant 2 : i32
    %dma_wait3A_775 = arith.constant 2 : i32
    %dma_wait3A_776 = arith.constant 0 : i32
    %dma_wait3A_777 = arith.constant 0 : i32
    %dma_wait3A_778 = tpu.memref_slice %arg8[%dma_wait3A_774, %dma_wait3A_776, %dma_wait3A_777] : memref<5x8x512xf32, #tpu.memory_space<vmem>> -> memref<1x8x512xf32, #tpu.memory_space<vmem>>
    %dma_wait3A_779 = tpu.memref_squeeze %dma_wait3A_778 : memref<1x8x512xf32, #tpu.memory_space<vmem>> -> memref<8x512xf32, #tpu.memory_space<vmem>>
    %dma_wait3A_780 = arith.constant 0 : i32
    %dma_wait3A_781 = tpu.memref_slice %arg5[%dma_wait3A_775, %multiple_of3A, %dma_wait3A_780] : memref<77x1000x512xf32, #tpu.memory_space<hbm>> -> memref<1x8x512xf32, #tpu.memory_space<hbm>>
    %dma_wait3A_782 = tpu.memref_squeeze %dma_wait3A_781 : memref<1x8x512xf32, #tpu.memory_space<hbm>> -> memref<8x512xf32, #tpu.memory_space<hbm>>
    %dma_wait3A_783 = arith.constant 0 : i32
    %dma_wait3A_784 = tpu.memref_slice %arg5[%dma_wait3A_775, %multiple_of3A, %dma_wait3A_783] : memref<77x1000x512xf32, #tpu.memory_space<hbm>> -> memref<1x8x512xf32, #tpu.memory_space<hbm>>
    %dma_wait3A_785 = tpu.memref_squeeze %dma_wait3A_784 : memref<1x8x512xf32, #tpu.memory_space<hbm>> -> memref<8x512xf32, #tpu.memory_space<hbm>>
    %dma_wait3A_786 = arith.constant 0 : i32
    %dma_wait3A_787 = arith.constant 0 : i32
    %dma_wait3A_788 = tpu.memref_slice %arg8[%dma_wait3A_774, %dma_wait3A_786, %dma_wait3A_787] : memref<5x8x512xf32, #tpu.memory_space<vmem>> -> memref<1x8x512xf32, #tpu.memory_space<vmem>>
    %dma_wait3A_789 = tpu.memref_squeeze %dma_wait3A_788 : memref<1x8x512xf32, #tpu.memory_space<vmem>> -> memref<8x512xf32, #tpu.memory_space<vmem>>
    tpu.wait_dma2 semaphore(%arg10 : memref<!tpu.dma_semaphore, #tpu.memory_space<semaphore_mem>>) src(%dma_wait3A_789 : memref<8x512xf32, #tpu.memory_space<vmem>>) dst(%dma_wait3A_785 : memref<8x512xf32, #tpu.memory_space<hbm>>)
    %dma_wait3A_790 = arith.constant 2 : i32
    %dma_wait3A_791 = arith.constant 2 : i32
    %dma_wait3A_792 = arith.constant 0 : i32
    %dma_wait3A_793 = arith.constant 0 : i32
    %dma_wait3A_794 = tpu.memref_slice %arg8[%dma_wait3A_790, %dma_wait3A_792, %dma_wait3A_793] : memref<5x8x512xf32, #tpu.memory_space<vmem>> -> memref<1x8x512xf32, #tpu.memory_space<vmem>>
    %dma_wait3A_795 = tpu.memref_squeeze %dma_wait3A_794 : memref<1x8x512xf32, #tpu.memory_space<vmem>> -> memref<8x512xf32, #tpu.memory_space<vmem>>
    %dma_wait3A_796 = arith.constant 0 : i32
    %dma_wait3A_797 = tpu.memref_slice %arg5[%dma_wait3A_791, %multiple_of3A, %dma_wait3A_796] : memref<77x1000x512xf32, #tpu.memory_space<hbm>> -> memref<1x8x512xf32, #tpu.memory_space<hbm>>
    %dma_wait3A_798 = tpu.memref_squeeze %dma_wait3A_797 : memref<1x8x512xf32, #tpu.memory_space<hbm>> -> memref<8x512xf32, #tpu.memory_space<hbm>>
    %dma_wait3A_799 = arith.constant 0 : i32
    %dma_wait3A_800 = tpu.memref_slice %arg5[%dma_wait3A_791, %multiple_of3A, %dma_wait3A_799] : memref<77x1000x512xf32, #tpu.memory_space<hbm>> -> memref<1x8x512xf32, #tpu.memory_space<hbm>>
    %dma_wait3A_801 = tpu.memref_squeeze %dma_wait3A_800 : memref<1x8x512xf32, #tpu.memory_space<hbm>> -> memref<8x512xf32, #tpu.memory_space<hbm>>
    %dma_wait3A_802 = arith.constant 0 : i32
    %dma_wait3A_803 = arith.constant 0 : i32
    %dma_wait3A_804 = tpu.memref_slice %arg8[%dma_wait3A_790, %dma_wait3A_802, %dma_wait3A_803] : memref<5x8x512xf32, #tpu.memory_space<vmem>> -> memref<1x8x512xf32, #tpu.memory_space<vmem>>
    %dma_wait3A_805 = tpu.memref_squeeze %dma_wait3A_804 : memref<1x8x512xf32, #tpu.memory_space<vmem>> -> memref<8x512xf32, #tpu.memory_space<vmem>>
    tpu.wait_dma2 semaphore(%arg10 : memref<!tpu.dma_semaphore, #tpu.memory_space<semaphore_mem>>) src(%dma_wait3A_805 : memref<8x512xf32, #tpu.memory_space<vmem>>) dst(%dma_wait3A_801 : memref<8x512xf32, #tpu.memory_space<hbm>>)
    %dma_wait3A_806 = arith.constant 2 : i32
    %dma_wait3A_807 = arith.constant 2 : i32
    %dma_wait3A_808 = arith.constant 0 : i32
    %dma_wait3A_809 = arith.constant 0 : i32
    %dma_wait3A_810 = tpu.memref_slice %arg8[%dma_wait3A_806, %dma_wait3A_808, %dma_wait3A_809] : memref<5x8x512xf32, #tpu.memory_space<vmem>> -> memref<1x8x512xf32, #tpu.memory_space<vmem>>
    %dma_wait3A_811 = tpu.memref_squeeze %dma_wait3A_810 : memref<1x8x512xf32, #tpu.memory_space<vmem>> -> memref<8x512xf32, #tpu.memory_space<vmem>>
    %dma_wait3A_812 = arith.constant 0 : i32
    %dma_wait3A_813 = tpu.memref_slice %arg5[%dma_wait3A_807, %multiple_of3A, %dma_wait3A_812] : memref<77x1000x512xf32, #tpu.memory_space<hbm>> -> memref<1x8x512xf32, #tpu.memory_space<hbm>>
    %dma_wait3A_814 = tpu.memref_squeeze %dma_wait3A_813 : memref<1x8x512xf32, #tpu.memory_space<hbm>> -> memref<8x512xf32, #tpu.memory_space<hbm>>
    %dma_wait3A_815 = arith.constant 0 : i32
    %dma_wait3A_816 = tpu.memref_slice %arg5[%dma_wait3A_807, %multiple_of3A, %dma_wait3A_815] : memref<77x1000x512xf32, #tpu.memory_space<hbm>> -> memref<1x8x512xf32, #tpu.memory_space<hbm>>
    %dma_wait3A_817 = tpu.memref_squeeze %dma_wait3A_816 : memref<1x8x512xf32, #tpu.memory_space<hbm>> -> memref<8x512xf32, #tpu.memory_space<hbm>>
    %dma_wait3A_818 = arith.constant 0 : i32
    %dma_wait3A_819 = arith.constant 0 : i32
    %dma_wait3A_820 = tpu.memref_slice %arg8[%dma_wait3A_806, %dma_wait3A_818, %dma_wait3A_819] : memref<5x8x512xf32, #tpu.memory_space<vmem>> -> memref<1x8x512xf32, #tpu.memory_space<vmem>>
    %dma_wait3A_821 = tpu.memref_squeeze %dma_wait3A_820 : memref<1x8x512xf32, #tpu.memory_space<vmem>> -> memref<8x512xf32, #tpu.memory_space<vmem>>
    tpu.wait_dma2 semaphore(%arg10 : memref<!tpu.dma_semaphore, #tpu.memory_space<semaphore_mem>>) src(%dma_wait3A_821 : memref<8x512xf32, #tpu.memory_space<vmem>>) dst(%dma_wait3A_817 : memref<8x512xf32, #tpu.memory_space<hbm>>)
    %dma_wait3A_822 = arith.constant 3 : i32
    %dma_wait3A_823 = arith.constant 3 : i32
    %dma_wait3A_824 = arith.constant 0 : i32
    %dma_wait3A_825 = arith.constant 0 : i32
    %dma_wait3A_826 = tpu.memref_slice %arg8[%dma_wait3A_822, %dma_wait3A_824, %dma_wait3A_825] : memref<5x8x512xf32, #tpu.memory_space<vmem>> -> memref<1x8x512xf32, #tpu.memory_space<vmem>>
    %dma_wait3A_827 = tpu.memref_squeeze %dma_wait3A_826 : memref<1x8x512xf32, #tpu.memory_space<vmem>> -> memref<8x512xf32, #tpu.memory_space<vmem>>
    %dma_wait3A_828 = arith.constant 0 : i32
    %dma_wait3A_829 = tpu.memref_slice %arg5[%dma_wait3A_823, %multiple_of3A, %dma_wait3A_828] : memref<77x1000x512xf32, #tpu.memory_space<hbm>> -> memref<1x8x512xf32, #tpu.memory_space<hbm>>
    %dma_wait3A_830 = tpu.memref_squeeze %dma_wait3A_829 : memref<1x8x512xf32, #tpu.memory_space<hbm>> -> memref<8x512xf32, #tpu.memory_space<hbm>>
    %dma_wait3A_831 = arith.constant 0 : i32
    %dma_wait3A_832 = tpu.memref_slice %arg5[%dma_wait3A_823, %multiple_of3A, %dma_wait3A_831] : memref<77x1000x512xf32, #tpu.memory_space<hbm>> -> memref<1x8x512xf32, #tpu.memory_space<hbm>>
    %dma_wait3A_833 = tpu.memref_squeeze %dma_wait3A_832 : memref<1x8x512xf32, #tpu.memory_space<hbm>> -> memref<8x512xf32, #tpu.memory_space<hbm>>
    %dma_wait3A_834 = arith.constant 0 : i32
    %dma_wait3A_835 = arith.constant 0 : i32
    %dma_wait3A_836 = tpu.memref_slice %arg8[%dma_wait3A_822, %dma_wait3A_834, %dma_wait3A_835] : memref<5x8x512xf32, #tpu.memory_space<vmem>> -> memref<1x8x512xf32, #tpu.memory_space<vmem>>
    %dma_wait3A_837 = tpu.memref_squeeze %dma_wait3A_836 : memref<1x8x512xf32, #tpu.memory_space<vmem>> -> memref<8x512xf32, #tpu.memory_space<vmem>>
    tpu.wait_dma2 semaphore(%arg10 : memref<!tpu.dma_semaphore, #tpu.memory_space<semaphore_mem>>) src(%dma_wait3A_837 : memref<8x512xf32, #tpu.memory_space<vmem>>) dst(%dma_wait3A_833 : memref<8x512xf32, #tpu.memory_space<hbm>>)
    %dma_wait3A_838 = arith.constant 3 : i32
    %dma_wait3A_839 = arith.constant 3 : i32
    %dma_wait3A_840 = arith.constant 0 : i32
    %dma_wait3A_841 = arith.constant 0 : i32
    %dma_wait3A_842 = tpu.memref_slice %arg8[%dma_wait3A_838, %dma_wait3A_840, %dma_wait3A_841] : memref<5x8x512xf32, #tpu.memory_space<vmem>> -> memref<1x8x512xf32, #tpu.memory_space<vmem>>
    %dma_wait3A_843 = tpu.memref_squeeze %dma_wait3A_842 : memref<1x8x512xf32, #tpu.memory_space<vmem>> -> memref<8x512xf32, #tpu.memory_space<vmem>>
    %dma_wait3A_844 = arith.constant 0 : i32
    %dma_wait3A_845 = tpu.memref_slice %arg5[%dma_wait3A_839, %multiple_of3A, %dma_wait3A_844] : memref<77x1000x512xf32, #tpu.memory_space<hbm>> -> memref<1x8x512xf32, #tpu.memory_space<hbm>>
    %dma_wait3A_846 = tpu.memref_squeeze %dma_wait3A_845 : memref<1x8x512xf32, #tpu.memory_space<hbm>> -> memref<8x512xf32, #tpu.memory_space<hbm>>
    %dma_wait3A_847 = arith.constant 0 : i32
    %dma_wait3A_848 = tpu.memref_slice %arg5[%dma_wait3A_839, %multiple_of3A, %dma_wait3A_847] : memref<77x1000x512xf32, #tpu.memory_space<hbm>> -> memref<1x8x512xf32, #tpu.memory_space<hbm>>
    %dma_wait3A_849 = tpu.memref_squeeze %dma_wait3A_848 : memref<1x8x512xf32, #tpu.memory_space<hbm>> -> memref<8x512xf32, #tpu.memory_space<hbm>>
    %dma_wait3A_850 = arith.constant 0 : i32
    %dma_wait3A_851 = arith.constant 0 : i32
    %dma_wait3A_852 = tpu.memref_slice %arg8[%dma_wait3A_838, %dma_wait3A_850, %dma_wait3A_851] : memref<5x8x512xf32, #tpu.memory_space<vmem>> -> memref<1x8x512xf32, #tpu.memory_space<vmem>>
    %dma_wait3A_853 = tpu.memref_squeeze %dma_wait3A_852 : memref<1x8x512xf32, #tpu.memory_space<vmem>> -> memref<8x512xf32, #tpu.memory_space<vmem>>
    tpu.wait_dma2 semaphore(%arg10 : memref<!tpu.dma_semaphore, #tpu.memory_space<semaphore_mem>>) src(%dma_wait3A_853 : memref<8x512xf32, #tpu.memory_space<vmem>>) dst(%dma_wait3A_849 : memref<8x512xf32, #tpu.memory_space<hbm>>)
    %dma_wait3A_854 = arith.constant 3 : i32
    %dma_wait3A_855 = arith.constant 3 : i32
    %dma_wait3A_856 = arith.constant 0 : i32
    %dma_wait3A_857 = arith.constant 0 : i32
    %dma_wait3A_858 = tpu.memref_slice %arg8[%dma_wait3A_854, %dma_wait3A_856, %dma_wait3A_857] : memref<5x8x512xf32, #tpu.memory_space<vmem>> -> memref<1x8x512xf32, #tpu.memory_space<vmem>>
    %dma_wait3A_859 = tpu.memref_squeeze %dma_wait3A_858 : memref<1x8x512xf32, #tpu.memory_space<vmem>> -> memref<8x512xf32, #tpu.memory_space<vmem>>
    %dma_wait3A_860 = arith.constant 0 : i32
    %dma_wait3A_861 = tpu.memref_slice %arg5[%dma_wait3A_855, %multiple_of3A, %dma_wait3A_860] : memref<77x1000x512xf32, #tpu.memory_space<hbm>> -> memref<1x8x512xf32, #tpu.memory_space<hbm>>
    %dma_wait3A_862 = tpu.memref_squeeze %dma_wait3A_861 : memref<1x8x512xf32, #tpu.memory_space<hbm>> -> memref<8x512xf32, #tpu.memory_space<hbm>>
    %dma_wait3A_863 = arith.constant 0 : i32
    %dma_wait3A_864 = tpu.memref_slice %arg5[%dma_wait3A_855, %multiple_of3A, %dma_wait3A_863] : memref<77x1000x512xf32, #tpu.memory_space<hbm>> -> memref<1x8x512xf32, #tpu.memory_space<hbm>>
    %dma_wait3A_865 = tpu.memref_squeeze %dma_wait3A_864 : memref<1x8x512xf32, #tpu.memory_space<hbm>> -> memref<8x512xf32, #tpu.memory_space<hbm>>
    %dma_wait3A_866 = arith.constant 0 : i32
    %dma_wait3A_867 = arith.constant 0 : i32
    %dma_wait3A_868 = tpu.memref_slice %arg8[%dma_wait3A_854, %dma_wait3A_866, %dma_wait3A_867] : memref<5x8x512xf32, #tpu.memory_space<vmem>> -> memref<1x8x512xf32, #tpu.memory_space<vmem>>
    %dma_wait3A_869 = tpu.memref_squeeze %dma_wait3A_868 : memref<1x8x512xf32, #tpu.memory_space<vmem>> -> memref<8x512xf32, #tpu.memory_space<vmem>>
    tpu.wait_dma2 semaphore(%arg10 : memref<!tpu.dma_semaphore, #tpu.memory_space<semaphore_mem>>) src(%dma_wait3A_869 : memref<8x512xf32, #tpu.memory_space<vmem>>) dst(%dma_wait3A_865 : memref<8x512xf32, #tpu.memory_space<hbm>>)
    %dma_wait3A_870 = arith.constant 3 : i32
    %dma_wait3A_871 = arith.constant 3 : i32
    %dma_wait3A_872 = arith.constant 0 : i32
    %dma_wait3A_873 = arith.constant 0 : i32
    %dma_wait3A_874 = tpu.memref_slice %arg8[%dma_wait3A_870, %dma_wait3A_872, %dma_wait3A_873] : memref<5x8x512xf32, #tpu.memory_space<vmem>> -> memref<1x8x512xf32, #tpu.memory_space<vmem>>
    %dma_wait3A_875 = tpu.memref_squeeze %dma_wait3A_874 : memref<1x8x512xf32, #tpu.memory_space<vmem>> -> memref<8x512xf32, #tpu.memory_space<vmem>>
    %dma_wait3A_876 = arith.constant 0 : i32
    %dma_wait3A_877 = tpu.memref_slice %arg5[%dma_wait3A_871, %multiple_of3A, %dma_wait3A_876] : memref<77x1000x512xf32, #tpu.memory_space<hbm>> -> memref<1x8x512xf32, #tpu.memory_space<hbm>>
    %dma_wait3A_878 = tpu.memref_squeeze %dma_wait3A_877 : memref<1x8x512xf32, #tpu.memory_space<hbm>> -> memref<8x512xf32, #tpu.memory_space<hbm>>
    %dma_wait3A_879 = arith.constant 0 : i32
    %dma_wait3A_880 = tpu.memref_slice %arg5[%dma_wait3A_871, %multiple_of3A, %dma_wait3A_879] : memref<77x1000x512xf32, #tpu.memory_space<hbm>> -> memref<1x8x512xf32, #tpu.memory_space<hbm>>
    %dma_wait3A_881 = tpu.memref_squeeze %dma_wait3A_880 : memref<1x8x512xf32, #tpu.memory_space<hbm>> -> memref<8x512xf32, #tpu.memory_space<hbm>>
    %dma_wait3A_882 = arith.constant 0 : i32
    %dma_wait3A_883 = arith.constant 0 : i32
    %dma_wait3A_884 = tpu.memref_slice %arg8[%dma_wait3A_870, %dma_wait3A_882, %dma_wait3A_883] : memref<5x8x512xf32, #tpu.memory_space<vmem>> -> memref<1x8x512xf32, #tpu.memory_space<vmem>>
    %dma_wait3A_885 = tpu.memref_squeeze %dma_wait3A_884 : memref<1x8x512xf32, #tpu.memory_space<vmem>> -> memref<8x512xf32, #tpu.memory_space<vmem>>
    tpu.wait_dma2 semaphore(%arg10 : memref<!tpu.dma_semaphore, #tpu.memory_space<semaphore_mem>>) src(%dma_wait3A_885 : memref<8x512xf32, #tpu.memory_space<vmem>>) dst(%dma_wait3A_881 : memref<8x512xf32, #tpu.memory_space<hbm>>)
    %dma_wait3A_886 = arith.constant 4 : i32
    %dma_wait3A_887 = arith.constant 4 : i32
    %dma_wait3A_888 = arith.constant 0 : i32
    %dma_wait3A_889 = arith.constant 0 : i32
    %dma_wait3A_890 = tpu.memref_slice %arg8[%dma_wait3A_886, %dma_wait3A_888, %dma_wait3A_889] : memref<5x8x512xf32, #tpu.memory_space<vmem>> -> memref<1x8x512xf32, #tpu.memory_space<vmem>>
    %dma_wait3A_891 = tpu.memref_squeeze %dma_wait3A_890 : memref<1x8x512xf32, #tpu.memory_space<vmem>> -> memref<8x512xf32, #tpu.memory_space<vmem>>
    %dma_wait3A_892 = arith.constant 0 : i32
    %dma_wait3A_893 = tpu.memref_slice %arg5[%dma_wait3A_887, %multiple_of3A, %dma_wait3A_892] : memref<77x1000x512xf32, #tpu.memory_space<hbm>> -> memref<1x8x512xf32, #tpu.memory_space<hbm>>
    %dma_wait3A_894 = tpu.memref_squeeze %dma_wait3A_893 : memref<1x8x512xf32, #tpu.memory_space<hbm>> -> memref<8x512xf32, #tpu.memory_space<hbm>>
    %dma_wait3A_895 = arith.constant 0 : i32
    %dma_wait3A_896 = tpu.memref_slice %arg5[%dma_wait3A_887, %multiple_of3A, %dma_wait3A_895] : memref<77x1000x512xf32, #tpu.memory_space<hbm>> -> memref<1x8x512xf32, #tpu.memory_space<hbm>>
    %dma_wait3A_897 = tpu.memref_squeeze %dma_wait3A_896 : memref<1x8x512xf32, #tpu.memory_space<hbm>> -> memref<8x512xf32, #tpu.memory_space<hbm>>
    %dma_wait3A_898 = arith.constant 0 : i32
    %dma_wait3A_899 = arith.constant 0 : i32
    %dma_wait3A_900 = tpu.memref_slice %arg8[%dma_wait3A_886, %dma_wait3A_898, %dma_wait3A_899] : memref<5x8x512xf32, #tpu.memory_space<vmem>> -> memref<1x8x512xf32, #tpu.memory_space<vmem>>
    %dma_wait3A_901 = tpu.memref_squeeze %dma_wait3A_900 : memref<1x8x512xf32, #tpu.memory_space<vmem>> -> memref<8x512xf32, #tpu.memory_space<vmem>>
    tpu.wait_dma2 semaphore(%arg10 : memref<!tpu.dma_semaphore, #tpu.memory_space<semaphore_mem>>) src(%dma_wait3A_901 : memref<8x512xf32, #tpu.memory_space<vmem>>) dst(%dma_wait3A_897 : memref<8x512xf32, #tpu.memory_space<hbm>>)
    %dma_wait3A_902 = arith.constant 4 : i32
    %dma_wait3A_903 = arith.constant 4 : i32
    %dma_wait3A_904 = arith.constant 0 : i32
    %dma_wait3A_905 = arith.constant 0 : i32
    %dma_wait3A_906 = tpu.memref_slice %arg8[%dma_wait3A_902, %dma_wait3A_904, %dma_wait3A_905] : memref<5x8x512xf32, #tpu.memory_space<vmem>> -> memref<1x8x512xf32, #tpu.memory_space<vmem>>
    %dma_wait3A_907 = tpu.memref_squeeze %dma_wait3A_906 : memref<1x8x512xf32, #tpu.memory_space<vmem>> -> memref<8x512xf32, #tpu.memory_space<vmem>>
    %dma_wait3A_908 = arith.constant 0 : i32
    %dma_wait3A_909 = tpu.memref_slice %arg5[%dma_wait3A_903, %multiple_of3A, %dma_wait3A_908] : memref<77x1000x512xf32, #tpu.memory_space<hbm>> -> memref<1x8x512xf32, #tpu.memory_space<hbm>>
    %dma_wait3A_910 = tpu.memref_squeeze %dma_wait3A_909 : memref<1x8x512xf32, #tpu.memory_space<hbm>> -> memref<8x512xf32, #tpu.memory_space<hbm>>
    %dma_wait3A_911 = arith.constant 0 : i32
    %dma_wait3A_912 = tpu.memref_slice %arg5[%dma_wait3A_903, %multiple_of3A, %dma_wait3A_911] : memref<77x1000x512xf32, #tpu.memory_space<hbm>> -> memref<1x8x512xf32, #tpu.memory_space<hbm>>
    %dma_wait3A_913 = tpu.memref_squeeze %dma_wait3A_912 : memref<1x8x512xf32, #tpu.memory_space<hbm>> -> memref<8x512xf32, #tpu.memory_space<hbm>>
    %dma_wait3A_914 = arith.constant 0 : i32
    %dma_wait3A_915 = arith.constant 0 : i32
    %dma_wait3A_916 = tpu.memref_slice %arg8[%dma_wait3A_902, %dma_wait3A_914, %dma_wait3A_915] : memref<5x8x512xf32, #tpu.memory_space<vmem>> -> memref<1x8x512xf32, #tpu.memory_space<vmem>>
    %dma_wait3A_917 = tpu.memref_squeeze %dma_wait3A_916 : memref<1x8x512xf32, #tpu.memory_space<vmem>> -> memref<8x512xf32, #tpu.memory_space<vmem>>
    tpu.wait_dma2 semaphore(%arg10 : memref<!tpu.dma_semaphore, #tpu.memory_space<semaphore_mem>>) src(%dma_wait3A_917 : memref<8x512xf32, #tpu.memory_space<vmem>>) dst(%dma_wait3A_913 : memref<8x512xf32, #tpu.memory_space<hbm>>)
    %dma_wait3A_918 = arith.constant 4 : i32
    %dma_wait3A_919 = arith.constant 4 : i32
    %dma_wait3A_920 = arith.constant 0 : i32
    %dma_wait3A_921 = arith.constant 0 : i32
    %dma_wait3A_922 = tpu.memref_slice %arg8[%dma_wait3A_918, %dma_wait3A_920, %dma_wait3A_921] : memref<5x8x512xf32, #tpu.memory_space<vmem>> -> memref<1x8x512xf32, #tpu.memory_space<vmem>>
    %dma_wait3A_923 = tpu.memref_squeeze %dma_wait3A_922 : memref<1x8x512xf32, #tpu.memory_space<vmem>> -> memref<8x512xf32, #tpu.memory_space<vmem>>
    %dma_wait3A_924 = arith.constant 0 : i32
    %dma_wait3A_925 = tpu.memref_slice %arg5[%dma_wait3A_919, %multiple_of3A, %dma_wait3A_924] : memref<77x1000x512xf32, #tpu.memory_space<hbm>> -> memref<1x8x512xf32, #tpu.memory_space<hbm>>
    %dma_wait3A_926 = tpu.memref_squeeze %dma_wait3A_925 : memref<1x8x512xf32, #tpu.memory_space<hbm>> -> memref<8x512xf32, #tpu.memory_space<hbm>>
    %dma_wait3A_927 = arith.constant 0 : i32
    %dma_wait3A_928 = tpu.memref_slice %arg5[%dma_wait3A_919, %multiple_of3A, %dma_wait3A_927] : memref<77x1000x512xf32, #tpu.memory_space<hbm>> -> memref<1x8x512xf32, #tpu.memory_space<hbm>>
    %dma_wait3A_929 = tpu.memref_squeeze %dma_wait3A_928 : memref<1x8x512xf32, #tpu.memory_space<hbm>> -> memref<8x512xf32, #tpu.memory_space<hbm>>
    %dma_wait3A_930 = arith.constant 0 : i32
    %dma_wait3A_931 = arith.constant 0 : i32
    %dma_wait3A_932 = tpu.memref_slice %arg8[%dma_wait3A_918, %dma_wait3A_930, %dma_wait3A_931] : memref<5x8x512xf32, #tpu.memory_space<vmem>> -> memref<1x8x512xf32, #tpu.memory_space<vmem>>
    %dma_wait3A_933 = tpu.memref_squeeze %dma_wait3A_932 : memref<1x8x512xf32, #tpu.memory_space<vmem>> -> memref<8x512xf32, #tpu.memory_space<vmem>>
    tpu.wait_dma2 semaphore(%arg10 : memref<!tpu.dma_semaphore, #tpu.memory_space<semaphore_mem>>) src(%dma_wait3A_933 : memref<8x512xf32, #tpu.memory_space<vmem>>) dst(%dma_wait3A_929 : memref<8x512xf32, #tpu.memory_space<hbm>>)
    %dma_wait3A_934 = arith.constant 4 : i32
    %dma_wait3A_935 = arith.constant 4 : i32
    %dma_wait3A_936 = arith.constant 0 : i32
    %dma_wait3A_937 = arith.constant 0 : i32
    %dma_wait3A_938 = tpu.memref_slice %arg8[%dma_wait3A_934, %dma_wait3A_936, %dma_wait3A_937] : memref<5x8x512xf32, #tpu.memory_space<vmem>> -> memref<1x8x512xf32, #tpu.memory_space<vmem>>
    %dma_wait3A_939 = tpu.memref_squeeze %dma_wait3A_938 : memref<1x8x512xf32, #tpu.memory_space<vmem>> -> memref<8x512xf32, #tpu.memory_space<vmem>>
    %dma_wait3A_940 = arith.constant 0 : i32
    %dma_wait3A_941 = tpu.memref_slice %arg5[%dma_wait3A_935, %multiple_of3A, %dma_wait3A_940] : memref<77x1000x512xf32, #tpu.memory_space<hbm>> -> memref<1x8x512xf32, #tpu.memory_space<hbm>>
    %dma_wait3A_942 = tpu.memref_squeeze %dma_wait3A_941 : memref<1x8x512xf32, #tpu.memory_space<hbm>> -> memref<8x512xf32, #tpu.memory_space<hbm>>
    %dma_wait3A_943 = arith.constant 0 : i32
    %dma_wait3A_944 = tpu.memref_slice %arg5[%dma_wait3A_935, %multiple_of3A, %dma_wait3A_943] : memref<77x1000x512xf32, #tpu.memory_space<hbm>> -> memref<1x8x512xf32, #tpu.memory_space<hbm>>
    %dma_wait3A_945 = tpu.memref_squeeze %dma_wait3A_944 : memref<1x8x512xf32, #tpu.memory_space<hbm>> -> memref<8x512xf32, #tpu.memory_space<hbm>>
    %dma_wait3A_946 = arith.constant 0 : i32
    %dma_wait3A_947 = arith.constant 0 : i32
    %dma_wait3A_948 = tpu.memref_slice %arg8[%dma_wait3A_934, %dma_wait3A_946, %dma_wait3A_947] : memref<5x8x512xf32, #tpu.memory_space<vmem>> -> memref<1x8x512xf32, #tpu.memory_space<vmem>>
    %dma_wait3A_949 = tpu.memref_squeeze %dma_wait3A_948 : memref<1x8x512xf32, #tpu.memory_space<vmem>> -> memref<8x512xf32, #tpu.memory_space<vmem>>
    tpu.wait_dma2 semaphore(%arg10 : memref<!tpu.dma_semaphore, #tpu.memory_space<semaphore_mem>>) src(%dma_wait3A_949 : memref<8x512xf32, #tpu.memory_space<vmem>>) dst(%dma_wait3A_945 : memref<8x512xf32, #tpu.memory_space<hbm>>)
    return
  }
}

</mosaic_0001>

<sc_bundles>
// kernel: kernel.3.cloned.1.call-start
scs
__scs_entry_jumppad:
0x0: {  	(pc) =	sbr.rel $0x88, $3  }
0x1: {  	(tag) =	ssettag $0x0;
	lr =	simm.s32 $0x1  }
0x2: {  	[smem:$0x3F9E] =	sst lr;
	_ =	strace $0xD0000000  }
0x3: {  	_ = 	snop  }
0x4: {  	_ = 	snop  }
0x5: {  	_ = 	snop  }
0x6: {  	_ = 	snop  }
0x7: {  	_ = 	snop  }
__scs_overlays_trampoline_lowered:
0x8: {  	[smem:$0x3FAD] =	sst s0  }
0x9: {  	[smem:$0x3FAE] =	sst s1  }
0xa: {  	[smem:$0x3FAF] =	sst s2  }
0xb: {  	[smem:$0x3FB0] =	sst s3  }
0xc: {  	[smem:$0x3FB1] =	sst s4  }
0xd: {  	[smem:$0x3FB2] =	sst s5  }
0xe: {  	[smem:$0x3FB3] =	sst s6  }
0xf: {  	[smem:$0x3FB4] =	sst s7  }
0x10: {  	[smem:$0x3FB5] =	sst s8  }
0x11: {  	[smem:$0x3FB6] =	sst s9;
	s0 =	simm.s32 @!p0 $0x0  }
0x12: {  	s1 =	sld [smem:$0x3F9C];
	s0 =	simm.s32 @p0 $0x1  }
0x13: {  	[smem:$0x3FB7] =	sst s0;
	s0 =	simm.s32 @!p1 $0x0  }
0x14: {  	s2 =	sld [smem:$0x3F9B];
	s0 =	simm.s32 @p1 $0x1  }
0x15: {  	[smem:$0x3FB8] =	sst s0;
	s0 =	simm.s32 @!p2 $0x0  }
0x16: {  	s3 =	sld [smem:$0x3FDB];
	s0 =	simm.s32 @p2 $0x1  }
0x17: {  	s4 =	simm.s32 $0x1BF5;
	[smem:$0x3FBA] =	sst s0  }
0x18: {  	s0 =	sld [smem:$0x3F9D];
	_ =	swait.ge [sflag:s4], $0x0  }
0x19: {  	s7 =	sld [smem:$0x3F9E]  }
0x1a: {  	s8 =	sadd.s32 $0xFFFFE003, lr  }
0x1b: {  	s9 =	sadd.s32 $0xFFFFFEF7, lr;
	s5 =	simm.s32 $0xFFFFFFFF;
	p2 =	slt.u32 s8, $0xFFFFF086  }
0x1c: {  	p1 =	slt.u32 s9, $0xF7A;
	s5 =	simm.s32 @!p2 $0x0  }
0x1d: {  	s5 =	simm.s32 @p1 $0x1;
	p0 =	seq.s32 s7, s2  }
0x1e: {  	s7 =	smul.u32 @!p0 $0xF7A, s2;
	p2 =	seq.s32 @!p0 s5, $0x0  }
0x1f: {  	s9 =	smul.u32 $0xF7A, s1;
	s8 =	simm.s32 @!p0 $0x1BF5;
	p2 =	por !p2, p0  }
0x20: {  	[sflag:s8] =	ssyncset.s32 @!p0 $0xFFFFF086;
	s6 =	sadd.s32 @!p0 s3, s7;
	s7 =	simm.s32 @!p0 $0x108  }
0x21: {  	s3 =	sadd.s32 s3, s9;
	s6 =	sadd.s32 @!p0 $0x88, s6;
	s7 =	simm.s32 @p2 $0x1082  }
0x22: {  	[simem:s7], [sflag:s8] =	dma.local @!p0 [hbm:s6], $0xF7A  }
0x23: {  	s9 =	sor.u32 $0xD0000000, s2;
	s6 =	simm.s32 $0x108;
	_ =	swait.ge @!p0 [sflag:s8], $0x0  }
0x24: {  	s3 =	sadd.s32 $0x88, s3;
	s6 =	simm.s32 @!p1 $0x1082;
	[sflag:s4] =	ssyncset.s32 $0xFFFFF086  }
0x25: {  	[simem:s6], [sflag:s4] =	dma.local [hbm:s3], $0xF7A  }
0x26: {  	[smem:$0x3F9E] =	sst s1;
	(tag) =	ssettag s2;
	_ =	strace s9  }
0x27: {  	s1 =	sld [smem:$0x3FAE]  }
0x28: {  	s2 =	sld [smem:$0x3FAF]  }
0x29: {  	s4 =	sld [smem:$0x3FB1]  }
0x2a: {  	p0 =	seq.s32 s5, $0x0;
	s5 =	sld [smem:$0x3FB2]  }
0x2b: {  	s6 =	sld [smem:$0x3FB3]  }
0x2c: {  	s7 =	sld [smem:$0x3FB4]  }
0x2d: {  	s3 =	simm.s32 $0x108;
	s8 =	sld [smem:$0x3FB5]  }
0x2e: {  	s3 =	simm.s32 @!p0 $0x1082;
	s9 =	sld [smem:$0x3FB6]  }
0x2f: {  	lr =	sadd.s32 s0, s3;
	s0 =	sld [smem:$0x3FAD]  }
0x30: {  	s3 =	sld [smem:$0x3FB0]  }
0x31: {  	[smem:$0x3FB9] =	sst s10  }
0x32: {  	s10 =	sld [smem:$0x3FB7];
	_ =	sdelay $0x3  }
0x33: {  	p0 =	seq.s32 s10, $0x1;
	s10 =	sld [smem:$0x3FB9];
	_ =	sdelay $0x3  }
0x34: {  	[smem:$0x3FB9] =	sst s10  }
0x35: {  	s10 =	sld [smem:$0x3FB8];
	_ =	sdelay $0x3  }
0x36: {  	p1 =	seq.s32 s10, $0x1;
	s10 =	sld [smem:$0x3FB9];
	_ =	sdelay $0x3  }
0x37: {  	[smem:$0x3FB9] =	sst s10  }
0x38: {  	s10 =	sld [smem:$0x3FBA]  }
0x39: {  	_ = 	snop;
	(pc) =	sbr.ind lr, $3  }
0x3a: {  	_ = 	snop  }
0x3b: {  	_ = 	snop  }
0x3c: {  	p2 =	seq.s32 s10, $0x1;
	s10 =	sld [smem:$0x3FB9]  }
0x3d: {  	_ =	shalt  }
0x3e: {  	_ =	shalt  }
0x3f: {  	_ =	shalt  }
0x40: {  	_ =	shalt  }
0x41: {  	_ =	shalt  }
0x42: {  	_ =	shalt  }
0x43: {  	_ =	shalt  }
0x44: {  	_ =	shalt  }
0x45: {  	_ =	shalt  }
0x46: {  	_ =	shalt  }
0x47: {  	_ =	shalt  }
0x48: {  	_ =	shalt  }
0x49: {  	_ =	shalt  }
0x4a: {  	_ =	shalt  }
0x4b: {  	_ =	shalt  }
0x4c: {  	_ =	shalt  }
0x4d: {  	_ =	shalt  }
0x4e: {  	_ =	shalt  }
0x4f: {  	_ =	shalt  }
0x50: {  	_ =	shalt  }
0x51: {  	_ =	shalt  }
0x52: {  	_ =	shalt  }
0x53: {  	_ =	shalt  }
0x54: {  	_ =	shalt  }
0x55: {  	_ =	shalt  }
0x56: {  	_ =	shalt  }
0x57: {  	_ =	shalt  }
0x58: {  	_ =	shalt  }
0x59: {  	_ =	shalt  }
0x5a: {  	_ =	shalt  }
0x5b: {  	_ =	shalt  }
0x5c: {  	_ =	shalt  }
0x5d: {  	_ =	shalt  }
0x5e: {  	_ =	shalt  }
0x5f: {  	_ =	shalt  }
0x60: {  	_ =	shalt  }
0x61: {  	_ =	shalt  }
0x62: {  	_ =	shalt  }
0x63: {  	_ =	shalt  }
0x64: {  	_ =	shalt  }
0x65: {  	_ =	shalt  }
0x66: {  	_ =	shalt  }
0x67: {  	_ =	shalt  }
0x68: {  	_ =	shalt  }
0x69: {  	_ =	shalt  }
0x6a: {  	_ =	shalt  }
0x6b: {  	_ =	shalt  }
0x6c: {  	_ =	shalt  }
0x6d: {  	_ =	shalt  }
0x6e: {  	_ =	shalt  }
0x6f: {  	_ =	shalt  }
0x70: {  	_ =	shalt  }
0x71: {  	_ =	shalt  }
0x72: {  	_ =	shalt  }
0x73: {  	_ =	shalt  }
0x74: {  	_ =	shalt  }
0x75: {  	_ =	shalt  }
0x76: {  	_ =	shalt  }
0x77: {  	_ =	shalt  }
0x78: {  	_ =	shalt  }
0x79: {  	_ =	shalt  }
0x7a: {  	_ =	shalt  }
0x7b: {  	_ =	shalt  }
0x7c: {  	_ =	shalt  }
0x7d: {  	_ =	shalt  }
0x7e: {  	_ =	shalt  }
0x7f: {  	_ =	shalt  }
0x80: {  	_ =	shalt  }
0x81: {  	_ =	shalt  }
0x82: {  	_ =	shalt  }
0x83: {  	_ =	shalt  }
0x84: {  	_ =	shalt  }
0x85: {  	_ =	shalt  }
0x86: {  	_ =	shalt  }
0x87: {  	_ =	shalt  }
.Lfunc_end0:
.L_simem_size_0:
called_computation_lowered:
.L_overlay_start_0:
0x88: {  	s2 =	sld [smem:$0x3FD9]  }
0x89: {  	s3 =	sld [smem:$0x3FFE];
	_ =	sdelay $0x1  }
0x8a: {  	s1 =	srdreg.scid  }
0x8b: {  	s0 =	sand.u32 $0x1, s1  }
0x8c: {  	s18 =	sshll.u32 s0, $0xA;
	s2 =	sadd.s32 s3, s2  }
0x8d: {  	s2 =	sadd.s32 s2, s18  }
0x8e: {  	[smem:$0x3FC5] =	sst s2  }
0x8f: {  	_ = 	snop  }
0x90: {  	s2 =	sld [smem:$0x3FC9]  }
0x91: {  	s19 =	sld [smem:$0x3FC8]  }
0x92: {  	s4 =	sld [smem:$0x3FC7]  }
0x93: {  	s5 =	sld [smem:$0x3FD0];
	(tm) =	ssettm $0x1  }
0x94: {  	s6 =	sld [smem:$0x3FFB];
	_ =	sdelay $0x3  }
0x95: {  	_ =	strace s6  }
0x96: {  	s6 =	sld [smem:$0x3FFC];
	_ =	sdelay $0x3  }
0x97: {  	_ =	strace s6  }
0x98: {  	s6 =	sld [smem:$0x3FFD];
	_ =	sdelay $0x3  }
0x99: {  	_ =	strace s6  }
0x9a: {  	_ =	strace $0x8FFFFFFF  }
0x9b: {  	s20 =	sld [smem:$0x3FDB];
	_ =	sdelay $0x1  }
0x9c: {  	s7 =	simm.s32 $_scs_section_size  }
0x9d: {  	s8 =	simm.s32 $_size__tile_overlayer_lowered;
	s9 =	simm.s32 $_tile_overlayer_lowered  }
0x9e: {  	s23 =	simm.s32 $0x1BFF;
	s22 =	sshll.u32 s9, $0x1;
	s6 =	sadd.s32 s7, s20  }
0x9f: {  	s10 =	simm.s32 $0x0;
	s21 =	sshll.u32 s8, $0x1;
	s8 =	sadd.s32 s22, s6  }
0xa0: {  	[timem:s10], [sflag:s23] =	dma.local [hbm:s8], s21  }
0xa1: {  	_ =	swait.ge [sflag:s23], s21  }
0xa2: {  	s7 =	ssub.s32 $0x0, s21;
	[sflag:s23] =	ssyncset.done $0x0  }
0xa3: {  	[sflag:s23] =	ssyncadd.s32 s7;
	_ =	sdelay $0x1  }
0xa4: {  	s24 =	simm.s32 $0x1B8B  }
0xa5: {  	_ =	swait.ge [sflag:s24], $0x1  }
0xa6: {  	[sflag:s24] =	ssyncset.done $0x0  }
0xa7: {  	s25 =	simm.s32 $0x1B8E;
	[sflag:s24] =	ssyncadd.s32 $0xFFFFFFFF  }
0xa8: {  	s26 =	simm.s32 $execute0_lowered;
	[smem:$0x3FD2] =	sst s25  }
0xa9: {  	s7 =	sshll.u32 s26, $0x1;
	_ =	strace $0x80000046;
	[dreg:$0x1] =	wrdreg $0xFFFFFFFF  }
0xaa: {  	s28 =	simm.s32 $_size_execute0_lowered;
	s6 =	sadd.s32 s6, s7;
	[dreg:$0x0] =	wrdreg $0x0  }
0xab: {  	s7 =	sshll.u32 s28, $0x1;
	[dreg:$0x2] =	wrdreg s6  }
0xac: {  	[dreg:$0x3] =	wrdreg s7  }
0xad: {  	[dreg:$0x4] =	wrdreg $0xC0  }
0xae: {  	_ =	task [dreg:s10], $0x5FFFF  }
0xaf: {  	[dreg:$0x1] =	wrdreg $0xFFFFFFFF  }
0xb0: {  	[dreg:$0x0] =	wrdreg $0x60  }
0xb1: {  	[dreg:$0x2] =	wrdreg s2  }
0xb2: {  	[dreg:$0x3] =	wrdreg s19  }
0xb3: {  	[dreg:$0x4] =	wrdreg s4  }
0xb4: {  	[dreg:$0x5] =	wrdreg s5  }
0xb5: {  	[dreg:$0x6] =	wrdreg $0x0  }
0xb6: {  	[dreg:$0x7] =	wrdreg $0x9  }
0xb7: {  	_ =	task.clear_ibuf [dreg:s10], $0x8FFFF;
	_ =	strace $0x90000046  }
0xb8: {  	s29 =	simm.s32 $0x9;
	_ =	strace $0x80000048  }
0xb9: {  	_ =	swait.ge [sflag:s29], $0x1  }
0xba: {  	[sflag:s29] =	ssyncadd.s32 $0xFFFFFFFF  }
0xbb: {  	_ =	strace $0x90000048  }
0xbc: {  	_ =	sfence  }
0xbd: {  	s30 =	sld [smem:$0x0];
	_ =	sdelay $0x2  }
0xbe: {  	s31 =	sshll.u32 s1, $0xD;
	s1 =	sshrl.u32 s1, $0x2  }
0xbf: {  	s3 =	sand.u32 $0x4000, s31;
	s1 =	sadd.s32 s1, s30  }
0xc0: {  	s0 =	sor.u32 s3, s0;
	s1 =	sshll.u32 s1, $0x11  }
0xc1: {  	s0 =	sor.u32 s1, s0  }
0xc2: {  	s0 =	sadd.s32 $0x8F2B, s0  }
0xc3: {  	[sflag:s0] =	ssyncadd.remote.s32 $0x1  }
0xc4: {  	_ =	sfence.sel $0xFFFF  }
0xc5: {  	[dreg:$0x0] =	wrdreg $0xFFFFFFFF;
	(pc) =	sbr.abs _section_cstart, $3  }
0xc6: {  	[dreg:$0x1] =	wrdreg $0xFFFFFFFF  }
0xc7: {  	_ =	task.clear_ibuf [dreg:s10], $0x2FFFF;
	_ =	strace $0x9FFFFFFF  }
0xc8: {  	(tm) =	ssettm $0x7FFFFFFF  }
0xc9: {  	_ =	shalt  }
tec
execute0_lowered:
.L_overlay_start_1:
0x0: {  	(tag) =	ssettag $0x1  }
0x1: {  	s0 =	rddreg [dreg:$0x1]  }
0x2: {  	s1 =	rddreg [dreg:$0x2]  }
0x3: {  	s2 =	rddreg [dreg:$0x3]  }
0x4: {  	s4 =	rddreg [dreg:$0x4]  }
0x5: {  	s3 =	srdreg.scid;
	s7 =	stileid.u32  }
0x6: {  	s5 =	sand.u32 $0x1, s3;
	s3 =	simm.s32 $0x0;
	s9 =	sshll.u32 s7, $0x6  }
0x7: {  	s7 =	smul.u32 $0x60000, s7;
	s6 =	sshll.u32 s5, $0x5;
	[smem:$0x7FF] =	sst s3  }
0x8: {  	s5 =	ssub.s32 $0x2, s5;
	s6 =	sor.u32 s6, s9;
	_ =	strace $0x80000047  }
0x9: {  	s8 =	sshrl.u32 s5, $0x1;
	s7 =	sshrl.u32 s7, $0x2;
	[dreg:$0x6] =	wrdreg s9  }
0xa: {  	s6 =	smin.u32 s6, $0x3C8;
	s8 =	ssub.s32 s5, s8;
	s5 =	sadd.s32 s7, s4  }
0xb: {  	s7 =	sor.u32 $0x1C01, s9;
	s6 =	sshll.u32 s6, $0x6;
	s23 =	smax.u32 s8, $0x1  }
0xc: {  	s30 =	sadd.s32 s0, s6;
	s11 =	sadd.s32 $0x2EE00, s6;
	[dreg:$0x16] =	wrdreg s23  }
0xd: {  	s9 =	sadd.s32 s2, s6;
	[dreg:$0x7] =	wrdreg s30;
	s0 =	sadd.s32 s0, s11  }
0xe: {  	s10 =	sadd.s32 s1, s6;
	s1 =	sadd.s32 $0x4E200, s9;
	[dreg:$0x8] =	wrdreg s0  }
0xf: {  	s6 =	sadd.s32 $0x7D000, s9;
	[dreg:$0x9] =	wrdreg s1  }
0x10: {  	s12 =	sadd.s32 $0x407400, s10;
	[dreg:$0xa] =	wrdreg s6  }
0x11: {  	s13 =	sadd.s32 $0x4A3800, s9;
	[dreg:$0xb] =	wrdreg s12  }
0x12: {  	s14 =	sadd.s32 $0x200, s9;
	[dreg:$0xc] =	wrdreg s13  }
0x13: {  	s15 =	sadd.s32 $0x400, s9;
	[dreg:$0xd] =	wrdreg s14  }
0x14: {  	s16 =	sadd.s32 $0x600, s9;
	[dreg:$0xe] =	wrdreg s15  }
0x15: {  	s17 =	sadd.s32 $0xFA00, s9;
	[dreg:$0xf] =	wrdreg s16  }
0x16: {  	s18 =	sadd.s32 $0xFC00, s9;
	[dreg:$0x10] =	wrdreg s17  }
0x17: {  	s19 =	sadd.s32 $0xFE00, s9;
	[dreg:$0x11] =	wrdreg s18  }
0x18: {  	s20 =	sadd.s32 $0x10000, s9;
	[dreg:$0x12] =	wrdreg s19  }
0x19: {  	s21 =	sadd.s32 s2, s11;
	[dreg:$0x13] =	wrdreg s20  }
0x1a: {  	s4 =	simm.s32 $0x1C000;
	s22 =	sadd.s32 $0x1F400, s9;
	[dreg:$0x14] =	wrdreg s21  }
0x1b: {  	s31 =	sadd.s32 $0xC000, s5;
	s24 =	sadd.s32 $0x1F600, s9;
	[dreg:$0x15] =	wrdreg s22  }
0x1c: {  	s25 =	sshrl.u32 s31, $0x3;
	s26 =	sadd.s32 $0x1F800, s9;
	[dreg:$0x17] =	wrdreg s24  }
0x1d: {  	s29 =	sadd.s32 $0x1FA00, s9;
	s30 =	sadd.s32 $0x2F000, s9;
	[dreg:$0x18] =	wrdreg s26  }
0x1e: {  	s31 =	sadd.s32 $0x2F200, s9;
	s2 =	sadd.s32 $0x3E800, s9;
	[dreg:$0x19] =	wrdreg s29  }
0x1f: {  	s8 =	sadd.s32 $0x3EE00, s9;
	s28 =	sadd.s32 $0x2EE00, s10;
	[dreg:$0x1a] =	wrdreg s30  }
0x20: {  	[dreg:$0x1b] =	wrdreg s31;
	s0 =	sadd.s32 $0x2F400, s9;
	s1 =	sadd.s32 $0x3EA00, s9  }
0x21: {  	s6 =	sadd.s32 $0x3EC00, s9;
	s12 =	sadd.s32 $0x9C400, s9;
	s13 =	simm.s32 $0x80  }
0x22: {  	s14 =	simm.s32 $0x800;
	s15 =	simm.s32 $0xFA00;
	s16 =	simm.s32 $0x1  }
0x23: {  	s17 =	simm.s32 $0x2;
	s18 =	simm.s32 $0x19000;
	s19 =	simm.s32 $0x1A000  }
0x24: {  	s20 =	simm.s32 $0x1B000;
	s21 =	simm.s32 $0x1D000;
	s22 =	simm.s32 $0x0  }
.LBB2_1:
0x25: {  	s11 =	rddreg [dreg:$0x0];
	s23 =	simm.s32 $0x18000  }
0x26: {  	[tilespmem:s23], [sflag:$0x1] =	stream.linear.gather [hbm4b:s11+s3], $0x1000, $0x38;
	[tilespmem:$0x1E000] =	vst v63  }
0x27: {  	s24 =	rddreg [dreg:$0x7];
	s23 =	sshrl.u32 s5, $0x3  }
0x28: {  	[spmem:s23@s14], [sflag:s7] =	dma.strided [hbm:s24@s15], $0x1800, s13, $0x10   }
0x29: {  	s11 =	rddreg [dreg:$0x8]  }
0x2a: {  	[spmem:s25@s14], [sflag:s7] =	dma.strided [hbm:s11@s15], $0x1000, s13, $0x10   }
0x2b: {  	_ =	swait.ge [sflag:s16], $0x1000  }
0x2c: {  	[sflag:s16] =	ssyncset.done $0x0  }
0x2d: {  	[sflag:s16] =	ssyncadd.s32 $0xFFFFF000  }
0x2e: {  	_ =	swait.ge [sflag:s16], $0x1800  }
0x2f: {  	[sflag:s16] =	ssyncset.done $0x0;
	s26 =	rddreg [dreg:$0x6]  }
0x30: {  	s30 =	rddreg [dreg:$0x9];
	[sflag:s16] =	ssyncadd.s32 $0xFFFFE800;
	s24 =	sor.u32 $0x1C02, s26  }
0x31: {  	[hbm:s30@s15], [sflag:s24] =	dma.strided [spmem:s23@s14], $0x1800, s13, $0x10   }
0x32: {  	_ =	swait.ge [sflag:s16], $0x1000  }
0x33: {  	[sflag:s16] =	ssyncset.done $0x0  }
0x34: {  	s31 =	rddreg [dreg:$0xa];
	[sflag:s16] =	ssyncadd.s32 $0xFFFFF000  }
0x35: {  	[hbm:s31@s15], [sflag:s24] =	dma.strided [spmem:s25@s14], $0x1000, s13, $0x10   }
0x36: {  	_ =	swait.ge [sflag:s17], $0x1800  }
0x37: {  	[sflag:s17] =	ssyncset.done $0x0  }
.Ltmp0:
0x38: {  	[sflag:s17] =	ssyncadd.s32 $0xFFFFE800;
	(pc) =	sbr.rel .LBB2_2-.Ltmp0, $4  }
0x39: {  	_ =	swait.ge [sflag:s17], $0x1000  }
0x3a: {  	s29 =	simm.s32 $0x0;
	[sflag:s17] =	ssyncset.done $0x0  }
0x3b: {  	s11 =	smov.u32 s28;
	s26 =	smov.u32 s12;
	[sflag:s17] =	ssyncadd.s32 $0xFFFFF000  }
0x3c: {  	[spmem:s23@s14], [sflag:s7] =	dma.strided [hbm:s10@s15], $0x1800, s13, $0x10   }
.LBB2_5:
0x3d: {  	s30 =	sxor.u32 $0x1, s30  }
0x3e: {  	s29 =	sadd.s32 $0x1, s29;
	s30 =	smul.u32 $0x30000, s30  }
0x3f: {  	p0 =	sne.s32 s29, $0x16  }
.Ltmp1:
0x40: {  	s30 =	sshrl.u32 s30, $0x2;
	(pc) =	sbr.rel @!p0 .LBB2_6-.Ltmp1, $4  }
0x41: {  	s30 =	sadd.s32 s30, s5  }
0x42: {  	s30 =	sshrl.u32 s30, $0x3  }
0x43: {  	[spmem:s30@s14], [sflag:s7] =	dma.strided [hbm:s11@s15], $0x1800, s13, $0x10   }
0x44: {  	s26 =	sadd.s32 $0x2EE00, s26;
	s11 =	sadd.s32 $0x2EE00, s11  }
.LBB2_2:
0x45: {  	s30 =	sand.u32 $0x1, s29  }
0x46: {  	p0 =	seq.s32 s29, $0x0;
	s31 =	smul.u32 $0x30000, s30  }
.Ltmp2:
0x47: {  	_ = 	snop;
	(pc) =	sbr.rel @p0 .LBB2_5-.Ltmp2, $4  }
0x48: {  	_ =	swait.ge [sflag:s16], $0x1800;
	s31 =	sshrl.u32 s31, $0x2  }
0x49: {  	[sflag:s16] =	ssyncset.done $0x0;
	s31 =	sadd.s32 s31, s5  }
0x4a: {  	[sflag:s16] =	ssyncadd.s32 $0xFFFFE800;
	s31 =	sshrl.u32 s31, $0x3  }
0x4b: {  	[hbm:s26@s15], [sflag:s24] =	dma.strided [spmem:s31@s14], $0x1800, s13, $0x10   }
0x4c: {  	p0 =	seq.s32 s29, $0x15  }
.Ltmp3:
0x4d: {  	_ = 	snop;
	(pc) =	sbr.rel @p0 .LBB2_6-.Ltmp3, $1  }
0x4e: {  	_ =	sdelay $0x3  }
.Ltmp4:
0x4f: {  	(pc) =	sbr.rel .LBB2_5-.Ltmp4, $4  }
0x50: {  	_ = 	snop  }
0x51: {  	_ =	swait.ge [sflag:s17], $0x1800  }
0x52: {  	[sflag:s17] =	ssyncset.done $0x0  }
0x53: {  	[sflag:s17] =	ssyncadd.s32 $0xFFFFE800  }
.LBB2_6:
0x54: {  	_ =	swait.ge [sflag:s17], $0x1800  }
0x55: {  	[sflag:s17] =	ssyncset.done $0x0  }
0x56: {  	s11 =	rddreg [dreg:$0xb];
	[sflag:s17] =	ssyncadd.s32 $0xFFFFE800  }
0x57: {  	[spmem:s23], [sflag:s7] =	dma.local [hbm:s11], $0x800  }
0x58: {  	_ =	swait.ge [sflag:s16], $0x800  }
0x59: {  	[sflag:s16] =	ssyncset.done $0x0  }
0x5a: {  	s29 =	rddreg [dreg:$0xc];
	[sflag:s16] =	ssyncadd.s32 $0xFFFFF800  }
0x5b: {  	[hbm:s29], [sflag:s24] =	dma.local [spmem:s23], $0x800  }
0x5c: {  	s23 =	simm.s32 $0x0  }
0x5d: {  	s30 =	sand.u32 $0x70, s23;
	s31 =	sand.u32 $0xC00, s23  }
0x5e: {  	s24 =	sor.u32 s30, s31  }
0x5f: {  	v0 =	vld [tilespmem:s24+$0x18000];
	_ =	sdelay $0x4  }
0x60: {  	s26 =	simm.s32 $0x0;
	s11 =	simm.s32 $0x10;
	[tilespmem:s24+$0x19000] =	vst v0  }
.LBB2_7:
0x61: {  	p0 =	sne.s32 s11, $0x1F0;
	[tilespmem:s24+$0x19080] =	vst v0  }
0x62: {  	[tilespmem:s24+$0x19100] =	vst v0  }
0x63: {  	[tilespmem:s24+$0x19180] =	vst v0  }
0x64: {  	[tilespmem:s24+$0x19200] =	vst v0  }
0x65: {  	s29 =	sor.u32 s26, s23;
	s26 =	sadd.s32 $0x80, s26;
	s23 =	smov.u32 s11;
	[tilespmem:s24+$0x19280] =	vst v0  }
0x66: {  	s30 =	sand.u32 $0x70, s11;
	s31 =	sand.u32 $0xC00, s26;
	s29 =	sor.u32 $0x380, s29;
	[tilespmem:s24+$0x19300] =	vst v0  }
0x67: {  	s24 =	sor.u32 s30, s31;
	[tilespmem:s29+$0x19000] =	vst v0  }
0x68: {  	v0 =	vld [tilespmem:s24+$0x18000]  }
.Ltmp5:
0x69: {  	(pc) =	sbr.rel @p0 .LBB2_7-.Ltmp5, $2  }
0x6a: {  	_ =	sdelay $0x2  }
0x6b: {  	s11 =	sadd.s32 $0x10, s11;
	[tilespmem:s24+$0x19000] =	vst v0  }
0x6c: {  	[tilespmem:s24+$0x19080] =	vst v0  }
0x6d: {  	[tilespmem:s24+$0x19100] =	vst v0  }
0x6e: {  	[tilespmem:s24+$0x19180] =	vst v0  }
0x6f: {  	[tilespmem:s24+$0x19200] =	vst v0  }
0x70: {  	[tilespmem:s24+$0x19280] =	vst v0;
	s11 =	sor.u32 s26, s23  }
0x71: {  	[tilespmem:s24+$0x19300] =	vst v0;
	s11 =	sor.u32 $0x380, s11  }
0x72: {  	[tilespmem:s11+$0x19000] =	vst v0;
	s11 =	simm.s32 $0x0  }
0x73: {  	[hbm4b:s9+s11] =	stream.linear.scatter [tilespmem:s18], [sflag:$0x2], $0x1000, $0x38;
	[tilespmem:$0x1E000] =	vst v63  }
0x74: {  	s31 =	rddreg [dreg:$0xd]  }
0x75: {  	[hbm4b:s31+s11] =	stream.linear.scatter [tilespmem:s18], [sflag:$0x2], $0x1000, $0x38;
	[tilespmem:$0x1E000] =	vst v63  }
0x76: {  	s24 =	rddreg [dreg:$0xe]  }
0x77: {  	[hbm4b:s24+s11] =	stream.linear.scatter [tilespmem:s18], [sflag:$0x2], $0x1000, $0x38;
	[tilespmem:$0x1E000] =	vst v63  }
0x78: {  	s26 =	rddreg [dreg:$0xf]  }
0x79: {  	[hbm4b:s26+s11] =	stream.linear.scatter [tilespmem:s18], [sflag:$0x2], $0x1000, $0x38;
	[tilespmem:$0x1E000] =	vst v63  }
0x7a: {  	s30 =	sand.u32 $0x70, s11;
	s11 =	sand.u32 $0xC00, s11  }
0x7b: {  	s23 =	sor.u32 s30, s11  }
0x7c: {  	v0 =	vld [tilespmem:s23+$0x18080];
	_ =	sdelay $0x4  }
0x7d: {  	s31 =	simm.s32 $0x10;
	s11 =	simm.s32 $0x80;
	[tilespmem:s23+$0x1A380] =	vst v0  }
0x7e: {  	s24 =	simm.s32 $0x20;
	s26 =	sand.u32 $0x70, s31;
	s29 =	sand.u32 $0xC00, s11;
	[tilespmem:s23+$0x1A000] =	vst v0  }
.LBB2_9:
0x7f: {  	p0 =	sne.s32 s24, $0x1F0;
	s26 =	sor.u32 s26, s29;
	[tilespmem:s23+$0x1A080] =	vst v0  }
0x80: {  	v1 =	vld [tilespmem:s26+$0x18080];
	[tilespmem:s23+$0x1A100] =	vst v0  }
0x81: {  	[tilespmem:s23+$0x1A180] =	vst v0  }
.Ltmp6:
0x82: {  	[tilespmem:s23+$0x1A200] =	vst v0;
	(pc) =	sbr.rel @p0 .LBB2_9-.Ltmp6, $4  }
0x83: {  	[tilespmem:s23+$0x1A280] =	vst v0  }
0x84: {  	[tilespmem:s23+$0x1A300] =	vst v0;
	s23 =	smov.u32 s26  }
0x85: {  	s11 =	sadd.s32 $0x80, s11;
	[tilespmem:s23+$0x1A380] =	vst v1;
	v0 =	vmov v1  }
0x86: {  	s29 =	sand.u32 $0xC00, s11;
	s26 =	sand.u32 $0x70, s24;
	s24 =	sadd.s32 $0x10, s24;
	[tilespmem:s23+$0x1A000] =	vst v0  }
0x87: {  	s11 =	sor.u32 s26, s29;
	[tilespmem:s23+$0x1A080] =	vst v0  }
0x88: {  	v1 =	vld [tilespmem:s11+$0x18080];
	[tilespmem:s23+$0x1A100] =	vst v0  }
0x89: {  	[tilespmem:s23+$0x1A180] =	vst v0  }
0x8a: {  	[tilespmem:s23+$0x1A200] =	vst v0  }
0x8b: {  	[tilespmem:s23+$0x1A280] =	vst v0  }
0x8c: {  	[tilespmem:s23+$0x1A300] =	vst v0  }
0x8d: {  	[tilespmem:s11+$0x1A380] =	vst v1  }
0x8e: {  	[tilespmem:s11+$0x1A000] =	vst v1  }
0x8f: {  	[tilespmem:s11+$0x1A080] =	vst v1  }
0x90: {  	[tilespmem:s11+$0x1A100] =	vst v1  }
0x91: {  	[tilespmem:s11+$0x1A180] =	vst v1  }
0x92: {  	[tilespmem:s11+$0x1A200] =	vst v1  }
0x93: {  	[tilespmem:s11+$0x1A280] =	vst v1  }
0x94: {  	s31 =	rddreg [dreg:$0x10];
	[tilespmem:s11+$0x1A300] =	vst v1;
	s11 =	simm.s32 $0x0  }
0x95: {  	[hbm4b:s31+s11] =	stream.linear.scatter [tilespmem:s19], [sflag:$0x2], $0x1000, $0x38;
	[tilespmem:$0x1E000] =	vst v63  }
0x96: {  	s24 =	rddreg [dreg:$0x11]  }
0x97: {  	[hbm4b:s24+s11] =	stream.linear.scatter [tilespmem:s19], [sflag:$0x2], $0x1000, $0x38;
	[tilespmem:$0x1E000] =	vst v63  }
0x98: {  	s26 =	rddreg [dreg:$0x12]  }
0x99: {  	[hbm4b:s26+s11] =	stream.linear.scatter [tilespmem:s19], [sflag:$0x2], $0x1000, $0x38;
	[tilespmem:$0x1E000] =	vst v63  }
0x9a: {  	s30 =	rddreg [dreg:$0x13]  }
0x9b: {  	[hbm4b:s30+s11] =	stream.linear.scatter [tilespmem:s19], [sflag:$0x2], $0x1000, $0x38;
	[tilespmem:$0x1E000] =	vst v63  }
0x9c: {  	s31 =	sand.u32 $0x70, s11;
	s11 =	sand.u32 $0xC00, s11  }
0x9d: {  	s23 =	sor.u32 s31, s11  }
0x9e: {  	v0 =	vld [tilespmem:s23+$0x18100];
	_ =	sdelay $0x4  }
0x9f: {  	s24 =	simm.s32 $0x10;
	s11 =	simm.s32 $0x80;
	[tilespmem:s23+$0x1B380] =	vst v0  }
0xa0: {  	s26 =	sand.u32 $0x70, s24;
	s24 =	simm.s32 $0x20;
	s29 =	sand.u32 $0xC00, s11;
	[tilespmem:s23+$0x1B000] =	vst v0  }
.LBB2_11:
0xa1: {  	p0 =	sne.s32 s24, $0x1F0;
	s26 =	sor.u32 s26, s29;
	[tilespmem:s23+$0x1B080] =	vst v0  }
0xa2: {  	v1 =	vld [tilespmem:s26+$0x18100];
	[tilespmem:s23+$0x1B100] =	vst v0  }
0xa3: {  	[tilespmem:s23+$0x1B180] =	vst v0  }
.Ltmp7:
0xa4: {  	[tilespmem:s23+$0x1B200] =	vst v0;
	(pc) =	sbr.rel @p0 .LBB2_11-.Ltmp7, $4  }
0xa5: {  	[tilespmem:s23+$0x1B280] =	vst v0  }
0xa6: {  	[tilespmem:s23+$0x1B300] =	vst v0;
	s23 =	smov.u32 s26  }
0xa7: {  	s11 =	sadd.s32 $0x80, s11;
	[tilespmem:s23+$0x1B380] =	vst v1;
	v0 =	vmov v1  }
0xa8: {  	s29 =	sand.u32 $0xC00, s11;
	s26 =	sand.u32 $0x70, s24;
	s24 =	sadd.s32 $0x10, s24;
	[tilespmem:s23+$0x1B000] =	vst v0  }
0xa9: {  	s11 =	sor.u32 s26, s29;
	[tilespmem:s23+$0x1B080] =	vst v0  }
0xaa: {  	v1 =	vld [tilespmem:s11+$0x18100];
	[tilespmem:s23+$0x1B100] =	vst v0  }
0xab: {  	[tilespmem:s23+$0x1B180] =	vst v0  }
0xac: {  	[tilespmem:s23+$0x1B200] =	vst v0  }
0xad: {  	[tilespmem:s23+$0x1B280] =	vst v0  }
0xae: {  	[tilespmem:s23+$0x1B300] =	vst v0  }
0xaf: {  	[tilespmem:s11+$0x1B380] =	vst v1  }
0xb0: {  	[tilespmem:s11+$0x1B000] =	vst v1  }
0xb1: {  	[tilespmem:s11+$0x1B080] =	vst v1  }
0xb2: {  	[tilespmem:s11+$0x1B100] =	vst v1  }
0xb3: {  	[tilespmem:s11+$0x1B180] =	vst v1  }
0xb4: {  	[tilespmem:s11+$0x1B200] =	vst v1  }
0xb5: {  	[tilespmem:s11+$0x1B280] =	vst v1  }
0xb6: {  	s31 =	rddreg [dreg:$0x15];
	[tilespmem:s11+$0x1B300] =	vst v1;
	s11 =	simm.s32 $0x0  }
0xb7: {  	[hbm4b:s31+s11] =	stream.linear.scatter [tilespmem:s20], [sflag:$0x2], $0x1000, $0x38;
	[tilespmem:$0x1E000] =	vst v63  }
0xb8: {  	s24 =	rddreg [dreg:$0x17]  }
0xb9: {  	[hbm4b:s24+s11] =	stream.linear.scatter [tilespmem:s20], [sflag:$0x2], $0x1000, $0x38;
	[tilespmem:$0x1E000] =	vst v63  }
0xba: {  	s26 =	rddreg [dreg:$0x18]  }
0xbb: {  	[hbm4b:s26+s11] =	stream.linear.scatter [tilespmem:s20], [sflag:$0x2], $0x1000, $0x38;
	[tilespmem:$0x1E000] =	vst v63  }
0xbc: {  	s30 =	rddreg [dreg:$0x19]  }
0xbd: {  	[hbm4b:s30+s11] =	stream.linear.scatter [tilespmem:s20], [sflag:$0x2], $0x1000, $0x38;
	[tilespmem:$0x1E000] =	vst v63  }
0xbe: {  	s31 =	sand.u32 $0x70, s11;
	s11 =	sand.u32 $0xC00, s11  }
0xbf: {  	s23 =	sor.u32 s31, s11  }
0xc0: {  	v0 =	vld [tilespmem:s23+$0x18180];
	_ =	sdelay $0x4  }
0xc1: {  	s24 =	simm.s32 $0x10;
	s11 =	simm.s32 $0x80;
	[tilespmem:s23+$0x1C380] =	vst v0  }
0xc2: {  	s26 =	sand.u32 $0x70, s24;
	s24 =	simm.s32 $0x20;
	s29 =	sand.u32 $0xC00, s11;
	[tilespmem:s23+$0x1C000] =	vst v0  }
.LBB2_13:
0xc3: {  	p0 =	sne.s32 s24, $0x1F0;
	s26 =	sor.u32 s26, s29;
	[tilespmem:s23+$0x1C080] =	vst v0  }
0xc4: {  	v1 =	vld [tilespmem:s26+$0x18180];
	[tilespmem:s23+$0x1C100] =	vst v0  }
0xc5: {  	[tilespmem:s23+$0x1C180] =	vst v0  }
.Ltmp8:
0xc6: {  	[tilespmem:s23+$0x1C200] =	vst v0;
	(pc) =	sbr.rel @p0 .LBB2_13-.Ltmp8, $4  }
0xc7: {  	[tilespmem:s23+$0x1C280] =	vst v0  }
0xc8: {  	[tilespmem:s23+$0x1C300] =	vst v0;
	s23 =	smov.u32 s26  }
0xc9: {  	s11 =	sadd.s32 $0x80, s11;
	[tilespmem:s23+$0x1C380] =	vst v1;
	v0 =	vmov v1  }
0xca: {  	s29 =	sand.u32 $0xC00, s11;
	s26 =	sand.u32 $0x70, s24;
	s24 =	sadd.s32 $0x10, s24;
	[tilespmem:s23+$0x1C000] =	vst v0  }
0xcb: {  	s11 =	sor.u32 s26, s29;
	[tilespmem:s23+$0x1C080] =	vst v0  }
0xcc: {  	v1 =	vld [tilespmem:s11+$0x18180];
	[tilespmem:s23+$0x1C100] =	vst v0  }
0xcd: {  	[tilespmem:s23+$0x1C180] =	vst v0  }
0xce: {  	[tilespmem:s23+$0x1C200] =	vst v0  }
0xcf: {  	[tilespmem:s23+$0x1C280] =	vst v0  }
0xd0: {  	[tilespmem:s23+$0x1C300] =	vst v0  }
0xd1: {  	[tilespmem:s11+$0x1C380] =	vst v1  }
0xd2: {  	[tilespmem:s11+$0x1C000] =	vst v1  }
0xd3: {  	[tilespmem:s11+$0x1C080] =	vst v1  }
0xd4: {  	[tilespmem:s11+$0x1C100] =	vst v1  }
0xd5: {  	[tilespmem:s11+$0x1C180] =	vst v1  }
0xd6: {  	[tilespmem:s11+$0x1C200] =	vst v1  }
0xd7: {  	[tilespmem:s11+$0x1C280] =	vst v1  }
0xd8: {  	s24 =	rddreg [dreg:$0x14];
	[tilespmem:s11+$0x1C300] =	vst v1;
	s11 =	simm.s32 $0x0  }
0xd9: {  	[hbm4b:s24+s11] =	stream.linear.scatter [tilespmem:s4], [sflag:$0x2], $0x1000, $0x38;
	[tilespmem:$0x1E000] =	vst v63  }
0xda: {  	s26 =	rddreg [dreg:$0x1a]  }
0xdb: {  	[hbm4b:s26+s11] =	stream.linear.scatter [tilespmem:s4], [sflag:$0x2], $0x1000, $0x38;
	[tilespmem:$0x1E000] =	vst v63  }
0xdc: {  	s30 =	rddreg [dreg:$0x1b]  }
0xdd: {  	[hbm4b:s30+s11] =	stream.linear.scatter [tilespmem:s4], [sflag:$0x2], $0x1000, $0x38;
	[tilespmem:$0x1E000] =	vst v63  }
0xde: {  	_ = 	snop  }
0xdf: {  	[hbm4b:s0+s11] =	stream.linear.scatter [tilespmem:s4], [sflag:$0x2], $0x1000, $0x38;
	[tilespmem:$0x1E000] =	vst v63  }
0xe0: {  	s31 =	sand.u32 $0x70, s11;
	s11 =	sand.u32 $0xC00, s11  }
0xe1: {  	s23 =	sor.u32 s31, s11  }
0xe2: {  	v0 =	vld [tilespmem:s23+$0x18200];
	_ =	sdelay $0x4  }
0xe3: {  	s24 =	simm.s32 $0x10;
	s11 =	simm.s32 $0x80;
	[tilespmem:s23+$0x1D380] =	vst v0  }
0xe4: {  	s26 =	sand.u32 $0x70, s24;
	s24 =	simm.s32 $0x20;
	s29 =	sand.u32 $0xC00, s11;
	[tilespmem:s23+$0x1D000] =	vst v0  }
.LBB2_15:
0xe5: {  	p0 =	sne.s32 s24, $0x1F0;
	s26 =	sor.u32 s26, s29;
	[tilespmem:s23+$0x1D080] =	vst v0  }
0xe6: {  	v1 =	vld [tilespmem:s26+$0x18200];
	[tilespmem:s23+$0x1D100] =	vst v0  }
0xe7: {  	[tilespmem:s23+$0x1D180] =	vst v0  }
.Ltmp9:
0xe8: {  	[tilespmem:s23+$0x1D200] =	vst v0;
	(pc) =	sbr.rel @p0 .LBB2_15-.Ltmp9, $4  }
0xe9: {  	[tilespmem:s23+$0x1D280] =	vst v0  }
0xea: {  	[tilespmem:s23+$0x1D300] =	vst v0;
	s23 =	smov.u32 s26  }
0xeb: {  	s11 =	sadd.s32 $0x80, s11;
	[tilespmem:s23+$0x1D380] =	vst v1;
	v0 =	vmov v1  }
0xec: {  	s29 =	sand.u32 $0xC00, s11;
	s26 =	sand.u32 $0x70, s24;
	s24 =	sadd.s32 $0x10, s24;
	[tilespmem:s23+$0x1D000] =	vst v0  }
0xed: {  	s11 =	sor.u32 s26, s29;
	[tilespmem:s23+$0x1D080] =	vst v0  }
0xee: {  	v1 =	vld [tilespmem:s11+$0x18200];
	[tilespmem:s23+$0x1D100] =	vst v0  }
0xef: {  	[tilespmem:s23+$0x1D180] =	vst v0  }
0xf0: {  	[tilespmem:s23+$0x1D200] =	vst v0  }
0xf1: {  	[tilespmem:s23+$0x1D280] =	vst v0  }
0xf2: {  	[tilespmem:s23+$0x1D300] =	vst v0  }
0xf3: {  	[tilespmem:s11+$0x1D380] =	vst v1  }
0xf4: {  	[tilespmem:s11+$0x1D000] =	vst v1  }
0xf5: {  	[tilespmem:s11+$0x1D080] =	vst v1  }
0xf6: {  	[tilespmem:s11+$0x1D100] =	vst v1  }
0xf7: {  	[tilespmem:s11+$0x1D180] =	vst v1  }
0xf8: {  	[tilespmem:s11+$0x1D200] =	vst v1  }
0xf9: {  	[tilespmem:s11+$0x1D280] =	vst v1  }
0xfa: {  	[tilespmem:s11+$0x1D300] =	vst v1  }
0xfb: {  	[hbm4b:s2+s3] =	stream.linear.scatter [tilespmem:s21], [sflag:$0x2], $0x1000, $0x38;
	[tilespmem:$0x1E000] =	vst v63  }
0xfc: {  	_ = 	snop  }
0xfd: {  	[hbm4b:s1+s3] =	stream.linear.scatter [tilespmem:s21], [sflag:$0x2], $0x1000, $0x38;
	[tilespmem:$0x1E000] =	vst v63  }
0xfe: {  	_ = 	snop  }
0xff: {  	[hbm4b:s6+s3] =	stream.linear.scatter [tilespmem:s21], [sflag:$0x2], $0x1000, $0x38;
	[tilespmem:$0x1E000] =	vst v63  }
0x100: {  	_ = 	snop  }
0x101: {  	[hbm4b:s8+s3] =	stream.linear.scatter [tilespmem:s21], [sflag:$0x2], $0x1000, $0x38;
	[tilespmem:$0x1E000] =	vst v63  }
0x102: {  	_ =	swait.ge [sflag:s17], $0x1800  }
0x103: {  	[sflag:s17] =	ssyncset.done $0x0  }
0x104: {  	[sflag:s17] =	ssyncadd.s32 $0xFFFFE800  }
0x105: {  	_ =	swait.ge [sflag:s17], $0x800  }
0x106: {  	[sflag:s17] =	ssyncset.done $0x0  }
0x107: {  	[sflag:s17] =	ssyncadd.s32 $0xFFFFF800  }
0x108: {  	_ =	swait.ge [sflag:s17], $0x1000  }
0x109: {  	[sflag:s17] =	ssyncset.done $0x0  }
0x10a: {  	[sflag:s17] =	ssyncadd.s32 $0xFFFFF000  }
0x10b: {  	_ =	swait.ge [sflag:s17], $0x1000  }
0x10c: {  	[sflag:s17] =	ssyncset.done $0x0  }
0x10d: {  	[sflag:s17] =	ssyncadd.s32 $0xFFFFF000  }
0x10e: {  	_ =	swait.ge [sflag:s17], $0x1000  }
0x10f: {  	[sflag:s17] =	ssyncset.done $0x0  }
0x110: {  	[sflag:s17] =	ssyncadd.s32 $0xFFFFF000  }
0x111: {  	_ =	swait.ge [sflag:s17], $0x1000  }
0x112: {  	[sflag:s17] =	ssyncset.done $0x0  }
0x113: {  	[sflag:s17] =	ssyncadd.s32 $0xFFFFF000  }
0x114: {  	_ =	swait.ge [sflag:s17], $0x1000  }
0x115: {  	[sflag:s17] =	ssyncset.done $0x0  }
0x116: {  	[sflag:s17] =	ssyncadd.s32 $0xFFFFF000  }
0x117: {  	_ =	swait.ge [sflag:s17], $0x1000  }
0x118: {  	[sflag:s17] =	ssyncset.done $0x0  }
0x119: {  	[sflag:s17] =	ssyncadd.s32 $0xFFFFF000  }
0x11a: {  	_ =	swait.ge [sflag:s17], $0x1000  }
0x11b: {  	[sflag:s17] =	ssyncset.done $0x0  }
0x11c: {  	[sflag:s17] =	ssyncadd.s32 $0xFFFFF000  }
0x11d: {  	_ =	swait.ge [sflag:s17], $0x1000  }
0x11e: {  	[sflag:s17] =	ssyncset.done $0x0  }
0x11f: {  	[sflag:s17] =	ssyncadd.s32 $0xFFFFF000  }
0x120: {  	_ =	swait.ge [sflag:s17], $0x1000  }
0x121: {  	[sflag:s17] =	ssyncset.done $0x0  }
0x122: {  	[sflag:s17] =	ssyncadd.s32 $0xFFFFF000  }
0x123: {  	_ =	swait.ge [sflag:s17], $0x1000  }
0x124: {  	[sflag:s17] =	ssyncset.done $0x0  }
0x125: {  	[sflag:s17] =	ssyncadd.s32 $0xFFFFF000  }
0x126: {  	_ =	swait.ge [sflag:s17], $0x1000  }
0x127: {  	[sflag:s17] =	ssyncset.done $0x0  }
0x128: {  	[sflag:s17] =	ssyncadd.s32 $0xFFFFF000  }
0x129: {  	_ =	swait.ge [sflag:s17], $0x1000  }
0x12a: {  	[sflag:s17] =	ssyncset.done $0x0  }
0x12b: {  	[sflag:s17] =	ssyncadd.s32 $0xFFFFF000  }
0x12c: {  	_ =	swait.ge [sflag:s17], $0x1000  }
0x12d: {  	[sflag:s17] =	ssyncset.done $0x0  }
0x12e: {  	[sflag:s17] =	ssyncadd.s32 $0xFFFFF000  }
0x12f: {  	_ =	swait.ge [sflag:s17], $0x1000  }
0x130: {  	[sflag:s17] =	ssyncset.done $0x0  }
0x131: {  	[sflag:s17] =	ssyncadd.s32 $0xFFFFF000  }
0x132: {  	_ =	swait.ge [sflag:s17], $0x1000  }
0x133: {  	[sflag:s17] =	ssyncset.done $0x0  }
0x134: {  	[sflag:s17] =	ssyncadd.s32 $0xFFFFF000  }
0x135: {  	_ =	swait.ge [sflag:s17], $0x1000  }
0x136: {  	[sflag:s17] =	ssyncset.done $0x0  }
0x137: {  	[sflag:s17] =	ssyncadd.s32 $0xFFFFF000  }
0x138: {  	_ =	swait.ge [sflag:s17], $0x1000  }
0x139: {  	[sflag:s17] =	ssyncset.done $0x0  }
0x13a: {  	[sflag:s17] =	ssyncadd.s32 $0xFFFFF000  }
0x13b: {  	_ =	swait.ge [sflag:s17], $0x1000  }
0x13c: {  	[sflag:s17] =	ssyncset.done $0x0  }
0x13d: {  	[sflag:s17] =	ssyncadd.s32 $0xFFFFF000  }
0x13e: {  	_ =	swait.ge [sflag:s17], $0x1000  }
0x13f: {  	[sflag:s17] =	ssyncset.done $0x0  }
0x140: {  	[sflag:s17] =	ssyncadd.s32 $0xFFFFF000  }
0x141: {  	_ =	swait.ge [sflag:s17], $0x1000  }
0x142: {  	s22 =	sadd.s32 $0x1, s22;
	s31 =	rddreg [dreg:$0x16]  }
0x143: {  	p0 =	sne.s32 s22, s31  }
.Ltmp10:
0x144: {  	_ = 	snop;
	(pc) =	sbr.rel @p0 .LBB2_1-.Ltmp10, $3  }
0x145: {  	_ =	sdelay $0x1  }
0x146: {  	[sflag:s17] =	ssyncset.done $0x0  }
0x147: {  	[sflag:s17] =	ssyncadd.s32 $0xFFFFF000  }
0x148: {  	_ =	sfence.sel $0x180000  }
0x149: {  	[bflag:$0x0] =	sbarrier.arrive $0xFFFF  }
0x14a: {  	_ =	strace $0x90000047  }
0x14b: {  	s0 =	stileid.u32;
	[bflag:$0x2] =	sbarrier.arrive $0xFFFF  }
0x14c: {  	p0 =	sne.s32 s0, $0x0;
	s0 =	rddreg [dreg:$0x5]  }
0x14d: {  	s0 =	sadd.s32 @!p0 $0x100000, s0  }
0x14e: {  	[sflag:s0] =	ssyncadd.tile.s32 @!p0 $0x1;
	_ =	shalt  }
.Lfunc_end2:
_tile_overlayer_lowered:
.L_overlay_start_2:
0x14f: {  	(tag) =	ssettag $0x2  }
0x150: {  	s0 =	rddreg [dreg:$0x0];
	s2 =	stileid.u32  }
0x151: {  	s1 =	rddreg [dreg:$0x1];
	p0 =	sne.s32 s2, $0x0  }
0x152: {  	s3 =	rddreg [dreg:$0x2];
	[bflag:$0x3] =	sbarrier.arrive $0xFFFF;
	s2 =	simm.s32 @!p0 $0x1C03  }
0x153: {  	[timem:s3], [sflag:s2] =	dma.local @!p0 [hbm:s0], s1  }
0x154: {  	s0 =	simm.s32 @!p0 $0x3  }
0x155: {  	_ =	swait.ge @!p0 [sflag:s0], s1  }
0x156: {  	s1 =	ssub.s32 @!p0 $0x0, s1;
	[sflag:s0] =	ssyncset.done @!p0 $0x0  }
0x157: {  	[sflag:s0] =	ssyncadd.s32 @!p0 s1  }
0x158: {  	[bflag:$0x3] =	sbarrier.arrive $0xFFFF  }
0x159: {  	_ =	shalt  }

</sc_bundles>
